<compile_context>
chip_gen: v7x
topology: tpu7x:2x2x1
jax: 0.10.2.dev20260603
libtpu: 0.0.44.dev20260713+nightly
codegen_flags: <defaults>
</compile_context>

<pallas_src>
import functools

import jax
import jax.numpy as jnp
from jax import lax
from jax.experimental import pallas as pl
from jax.experimental.pallas import tpu as pltpu
from jax.experimental.pallas import tpu_sc as plsc

NC = 2
NS = 16
CH = 128


def _make_agg(n_pad, e_pad, h, ch=CH, nbuf=2, nph=2):
  per_tile = e_pad // NS
  n_chunks = per_tile // ch
  ph_chunks = n_chunks // nph
  per_drain = n_pad // NS
  mesh = plsc.VectorSubcoreMesh(
      core_axis_name="c", subcore_axis_name="s", num_cores=NC, num_subcores=NS)

  @functools.partial(
      pl.kernel,
      out_type=jax.ShapeDtypeStruct((2 * h, 128), jnp.float32),
      mesh=mesh,
      scratch_types=[
          pltpu.VMEM((ph_chunks, ch), jnp.int32),
          pltpu.VMEM((ph_chunks, ch), jnp.int32),
          pltpu.VMEM((nbuf, ch, 128), jnp.float32),
          pltpu.VMEM_SHARED((n_pad, 128), jnp.float32),
          pltpu.SemaphoreType.DMA,
          pltpu.SemaphoreType.DMA,
      ],
  )
  def agg(ycat, src3, dst3, zeros, out, sidx_all, didx_all, rows, acc, gsem,
          ssem):
    c = lax.axis_index("c")
    s = lax.axis_index("s")
    pltpu.sync_copy(zeros, acc.at[pl.ds(s * per_drain, per_drain)])
    plsc.subcore_barrier()

    def body(i, carry):
      gcps = [pltpu.async_copy(ycat.at[sidx_all.at[i * nbuf + b]],
                               rows.at[b], gsem) for b in range(nbuf)]
      scps = []
      for b in range(nbuf):
        gcps[b].wait()
        scps.append(pltpu.async_copy(
            rows.at[b], acc.at[didx_all.at[i * nbuf + b]], ssem, add=True))
      for cp in scps:
        cp.wait()
      return carry

    for ph in range(nph):
      pltpu.sync_copy(src3.at[c * NS + s, pl.ds(ph * ph_chunks, ph_chunks)],
                      sidx_all)
      pltpu.sync_copy(dst3.at[s, pl.ds(ph * ph_chunks, ph_chunks)], didx_all)
      lax.fori_loop(0, ph_chunks // nbuf, body, 0)
    plsc.subcore_barrier()
    pltpu.sync_copy(acc.at[pl.ds(s * per_drain, per_drain)],
                    out.at[pl.ds(c * h + s * per_drain, per_drain)])

  return agg


def _make_deg(n_pad, e_pad, h):
  per_core = e_pad // NC
  per_tile = per_core // NS
  n_chunks = per_tile // CH
  nbuf = 1
  n_outer = n_chunks // nbuf
  per_drain = n_pad // NS
  mesh = plsc.VectorSubcoreMesh(
      core_axis_name="c", subcore_axis_name="s", num_cores=NC, num_subcores=NS)

  @functools.partial(
      pl.kernel,
      out_type=jax.ShapeDtypeStruct((2 * h, 128), jnp.float32),
      mesh=mesh,
      scratch_types=[
          pltpu.VMEM((n_chunks, CH), jnp.int32),
          pltpu.VMEM((CH, 128), jnp.float32),
          pltpu.VMEM_SHARED((n_pad, 128), jnp.float32),
          pltpu.SemaphoreType.DMA,
      ],
  )
  def deg(dst3, zeros, ones, out, didx_all, ones_v, acc, ssem):
    c = lax.axis_index("c")
    s = lax.axis_index("s")
    pltpu.sync_copy(ones, ones_v)
    pltpu.sync_copy(dst3.at[c * NS + s], didx_all)
    pltpu.sync_copy(zeros, acc.at[pl.ds(s * per_drain, per_drain)])
    plsc.subcore_barrier()

    def body(i, carry):
      scps = [pltpu.async_copy(ones_v, acc.at[didx_all.at[2 * i + b]],
                               ssem, add=True) for b in range(2)]
      for cp in scps:
        cp.wait()
      return carry

    lax.fori_loop(0, n_outer // 2, body, 0)
    plsc.subcore_barrier()
    pltpu.sync_copy(acc.at[pl.ds(s * per_drain, per_drain)],
                    out.at[pl.ds(c * h + s * per_drain, per_drain)])

  return deg


def _dinv(d_ref):
  return lax.rsqrt(d_ref[0, :, 0] + d_ref[1, :, 0] + 1.0)[:, None]


def _prep(x, dg3, n, r, h):
  def body(x_ref, d_ref, y_ref):
    y = x_ref[...] * _dinv(d_ref)
    y_ref[0] = y[:, :128]
    y_ref[1] = y[:, 128:]

  return pl.pallas_call(
      body,
      grid=(n // r,),
      in_specs=[pl.BlockSpec((r, 256), lambda i: (i, 0)),
                pl.BlockSpec((2, r, 128), lambda i: (0, i, 0))],
      out_specs=pl.BlockSpec((2, r, 128), lambda i: (0, i, 0)),
      out_shape=jax.ShapeDtypeStruct((2, h, 128), jnp.float32),
  )(x, dg3)


def _mid(agg3, ytab3, dg3, W1, b1, W2, n, r, h):
  hid = W1.shape[1]
  inc = W1.shape[0]

  def body(a_ref, y_ref, d_ref, w1_ref, b1_ref, w2_ref, o_ref):
    dinv = _dinv(d_ref)
    u = jnp.concatenate([a_ref[0] + y_ref[0], a_ref[1] + y_ref[1]],
                        axis=1) * dinv
    t = jnp.dot(u, w1_ref[...], preferred_element_type=jnp.float32)
    t = jnp.maximum(t + b1_ref[...], 0.0)
    y2 = jnp.dot(t, w2_ref[...], preferred_element_type=jnp.float32) * dinv
    o_ref[0] = y2[:, :128]
    o_ref[1] = y2[:, 128:]

  return pl.pallas_call(
      body,
      grid=(n // r,),
      in_specs=[pl.BlockSpec((2, r, 128), lambda i: (0, i, 0)),
                pl.BlockSpec((2, r, 128), lambda i: (0, i, 0)),
                pl.BlockSpec((2, r, 128), lambda i: (0, i, 0)),
                pl.BlockSpec((inc, hid), lambda i: (0, 0)),
                pl.BlockSpec((hid,), lambda i: (0,)),
                pl.BlockSpec((hid, 256), lambda i: (0, 0))],
      out_specs=pl.BlockSpec((2, r, 128), lambda i: (0, i, 0)),
      out_shape=jax.ShapeDtypeStruct((2, h, 128), jnp.float32),
  )(agg3, ytab3, dg3, W1, b1, W2)


def _final(aggc3, y2tab3, dg3, b2, n, r):
  outc = b2.shape[0]

  def body(a_ref, y_ref, d_ref, b2_ref, o_ref):
    o = jnp.concatenate([a_ref[0] + y_ref[0], a_ref[1] + y_ref[1]],
                        axis=1) * _dinv(d_ref)
    o_ref[...] = jnp.tanh(o + b2_ref[...])

  return pl.pallas_call(
      body,
      grid=(n // r,),
      in_specs=[pl.BlockSpec((2, r, 128), lambda i: (0, i, 0)),
                pl.BlockSpec((2, r, 128), lambda i: (0, i, 0)),
                pl.BlockSpec((2, r, 128), lambda i: (0, i, 0)),
                pl.BlockSpec((outc,), lambda i: (0,))],
      out_specs=pl.BlockSpec((r, outc), lambda i: (i, 0)),
      out_shape=jax.ShapeDtypeStruct((n, outc), jnp.float32),
  )(aggc3, y2tab3, dg3, b2)


def kernel(x, edge_index, W1, b1, W2, b2):
  n = x.shape[0]
  e = edge_index.shape[1]
  quantum = NC * NS * CH
  e_pad = ((e + quantum - 1) // quantum) * quantum
  n_quant = NS * 8
  n_pad = ((n + n_quant - 1) // n_quant) * n_quant
  r = 1000 if n % 1000 == 0 else n // 8
  h = ((n_pad + r - 1) // r) * r
  trash = n

  src = edge_index[0].astype(jnp.int32)
  dst = edge_index[1].astype(jnp.int32)
  pad = e_pad - e
  src_p = jnp.concatenate([src, jnp.zeros((pad,), jnp.int32)])
  dst_p = jnp.concatenate([dst, jnp.full((pad,), trash, jnp.int32)])
  agg_ch = CH
  src3 = jnp.concatenate([src_p, src_p + h]).reshape(NC * NS, -1, agg_ch)
  dst3_agg = dst_p.reshape(NS, -1, agg_ch)
  dst3_deg = dst_p.reshape(NC * NS, -1, CH)
  zeros128 = jnp.zeros((n_pad // NS, 128), jnp.float32)
  ones128 = jnp.ones((CH, 128), jnp.float32)

  deg_k = _make_deg(n_pad, e_pad, h)
  agg_k = _make_agg(n_pad, e_pad, h, ch=agg_ch, nbuf=2, nph=2)

  dg3 = deg_k(dst3_deg, zeros128, ones128).reshape(2, h, 128)
  ytab3 = _prep(x, dg3, n, r, h)
  agg3 = agg_k(ytab3.reshape(2 * h, 128), src3, dst3_agg,
               zeros128).reshape(2, h, 128)
  y2tab3 = _mid(agg3, ytab3, dg3, W1, b1, W2, n, r, h)
  aggc3 = agg_k(y2tab3.reshape(2 * h, 128), src3, dst3_agg,
                zeros128).reshape(2, h, 128)
  return _final(aggc3, y2tab3, dg3, b2, n, r)

# --- scband reference (transcript-rebuilt; emitter-appended) ---
"""Pipeline reference for scband-gcnencoder-40939628265800 (READ-ONLY COPY).

The authoritative reference and input builder live on the scoring server;
editing this copy changes nothing except your own understanding.
"""

import jax, jax.numpy as jnp
import numpy as np

N = 10000
E = 160000
IN_C = 256
OUT_C = 256
HID = 2 * OUT_C


def gcn_conv(x, edge_index, W, b):
    # Faithful PyG GCNConv: add self-loops, symmetric normalization,
    # linear transform, scatter-add aggregation, bias after aggregation.
    n = x.shape[0]
    loop = jnp.arange(n, dtype=edge_index.dtype)
    src = jnp.concatenate([edge_index[0], loop])
    dst = jnp.concatenate([edge_index[1], loop])
    ones = jnp.ones(src.shape[0], dtype=x.dtype)
    deg = jax.ops.segment_sum(ones, dst, num_segments=n)
    deg_inv_sqrt = jnp.where(deg > 0, deg ** -0.5, 0.0)
    norm = deg_inv_sqrt[src] * deg_inv_sqrt[dst]
    h = x @ W
    msg = h[src] * norm[:, None]
    out = jax.ops.segment_sum(msg, dst, num_segments=n)
    return out + b


def setup_inputs(seed: int = 0) -> dict:
    key = jax.random.key(seed)
    k1, k2, k3, k4 = jax.random.split(key, 4)
    x = jax.random.normal(k1, (N, IN_C), dtype=jnp.float32)
    edge_index = jax.random.randint(k2, (2, E), 0, N)
    W1 = jax.random.normal(k3, (IN_C, HID), dtype=jnp.float32) * (1.0 / np.sqrt(IN_C))
    b1 = jnp.zeros((HID,), dtype=jnp.float32)
    W2 = jax.random.normal(k4, (HID, OUT_C), dtype=jnp.float32) * (1.0 / np.sqrt(HID))
    b2 = jnp.zeros((OUT_C,), dtype=jnp.float32)
    return {"x": x, "edge_index": edge_index, "W1": W1, "b1": b1, "W2": W2, "b2": b2}


def reference(x, edge_index, W1, b1, W2, b2):
    h = jax.nn.relu(gcn_conv(x, edge_index, W1, b1))
    return jnp.tanh(gcn_conv(h, edge_index, W2, b2))

if __name__ == "__main__":
    import jax
    _d = setup_inputs()
    print(jax.jit(kernel)(*tuple(_d.values())))

</pallas_src>

<mosaic_0001>
#map = affine_map<(d0, d1) -> (0, 0)>
#map1 = affine_map<(d0, d1) -> (0, 0, 0)>
module attributes {stable_mosaic.version = 14 : i64} {
  func.func @agg(%arg0: i32, %arg1: i32, %arg2: memref<22000x128xf32, #tpu.memory_space<hbm>>, %arg3: memref<32x80x128xi32, #tpu.memory_space<hbm>>, %arg4: memref<16x80x128xi32, #tpu.memory_space<hbm>>, %arg5: memref<632x128xf32, #tpu.memory_space<hbm>>, %arg6: memref<22000x128xf32, #tpu.memory_space<hbm>>, %arg7: memref<40x128xi32, #tpu.memory_space<vmem>>, %arg8: memref<40x128xi32, #tpu.memory_space<vmem>>, %arg9: memref<2x128x128xf32, #tpu.memory_space<vmem>>, %arg10: memref<10112x128xf32, #tpu.memory_space<vmem_shared>>, %arg11: memref<!tpu.dma_semaphore, #tpu.memory_space<semaphore_mem>>, %arg12: memref<!tpu.dma_semaphore, #tpu.memory_space<semaphore_mem>>) attributes {dimension_semantics = [#tpu.dimension_semantics<core_parallel>, #tpu.dimension_semantics<subcore_parallel>], iteration_bounds = array<i64: 2, 16>, scalar_prefetch = 0 : i64, scratch_operands = 6 : i64, tpu.core_type = #tpu.core_type<sc_vector_subcore>, window_params = [{transform_indices = #map}, {transform_indices = #map1}, {transform_indices = #map1}, {transform_indices = #map}, {transform_indices = #map}]} {
    %mul3A = arith.constant 632 : i32
    %mul3A_0 = arith.muli %arg1, %mul3A : i32
    "tpu.region"() ({
      %run_scoped3A = tpu.sem_alloc : memref<!tpu.dma_semaphore, #tpu.memory_space<semaphore_mem>>
      %dma_start3A = arith.constant 0 : i32
      %dma_start3A_25 = tpu.memref_slice %arg10[%mul3A_0, %dma_start3A] : memref<10112x128xf32, #tpu.memory_space<vmem_shared>> -> memref<632x128xf32, #tpu.memory_space<vmem_shared>>
      tpu.enqueue_dma source(%arg5 : memref<632x128xf32, #tpu.memory_space<hbm>>) target(%dma_start3A_25 : memref<632x128xf32, #tpu.memory_space<vmem_shared>>) target_semaphore(%run_scoped3A : memref<!tpu.dma_semaphore, #tpu.memory_space<semaphore_mem>>)
      %dma_wait3A = arith.constant 0 : i32
      %dma_wait3A_26 = tpu.memref_slice %arg10[%mul3A_0, %dma_wait3A] : memref<10112x128xf32, #tpu.memory_space<vmem_shared>> -> memref<632x128xf32, #tpu.memory_space<vmem_shared>>
      tpu.wait_dma2 semaphore(%run_scoped3A : memref<!tpu.dma_semaphore, #tpu.memory_space<semaphore_mem>>) src(%arg5 : memref<632x128xf32, #tpu.memory_space<hbm>>) dst(%dma_wait3A_26 : memref<632x128xf32, #tpu.memory_space<vmem_shared>>)
      tpu.yield
    }) : () -> ()
    %barrier3A = arith.constant 0 : index
    tpu.barrier barrier_id(%barrier3A)
    %mul3A_1 = arith.constant 16 : i32
    %mul3A_2 = arith.muli %arg0, %mul3A_1 : i32
    %add3A = arith.addi %mul3A_2, %arg1 : i32
    "tpu.region"() ({
      %run_scoped3A = tpu.sem_alloc : memref<!tpu.dma_semaphore, #tpu.memory_space<semaphore_mem>>
      %dma_start3A = arith.constant 0 : i32
      %dma_start3A_25 = arith.constant 0 : i32
      %dma_start3A_26 = tpu.memref_slice %arg3[%add3A, %dma_start3A, %dma_start3A_25] : memref<32x80x128xi32, #tpu.memory_space<hbm>> -> memref<1x40x128xi32, #tpu.memory_space<hbm>>
      %dma_start3A_27 = tpu.memref_squeeze %dma_start3A_26 : memref<1x40x128xi32, #tpu.memory_space<hbm>> -> memref<40x128xi32, #tpu.memory_space<hbm>>
      %dma_start3A_28 = arith.constant 0 : i32
      %dma_start3A_29 = arith.constant 0 : i32
      %dma_start3A_30 = tpu.memref_slice %arg3[%add3A, %dma_start3A_28, %dma_start3A_29] : memref<32x80x128xi32, #tpu.memory_space<hbm>> -> memref<1x40x128xi32, #tpu.memory_space<hbm>>
      %dma_start3A_31 = tpu.memref_squeeze %dma_start3A_30 : memref<1x40x128xi32, #tpu.memory_space<hbm>> -> memref<40x128xi32, #tpu.memory_space<hbm>>
      tpu.enqueue_dma source(%dma_start3A_31 : memref<40x128xi32, #tpu.memory_space<hbm>>) target(%arg7 : memref<40x128xi32, #tpu.memory_space<vmem>>) target_semaphore(%run_scoped3A : memref<!tpu.dma_semaphore, #tpu.memory_space<semaphore_mem>>)
      %dma_wait3A = arith.constant 0 : i32
      %dma_wait3A_32 = arith.constant 0 : i32
      %dma_wait3A_33 = tpu.memref_slice %arg3[%add3A, %dma_wait3A, %dma_wait3A_32] : memref<32x80x128xi32, #tpu.memory_space<hbm>> -> memref<1x40x128xi32, #tpu.memory_space<hbm>>
      %dma_wait3A_34 = tpu.memref_squeeze %dma_wait3A_33 : memref<1x40x128xi32, #tpu.memory_space<hbm>> -> memref<40x128xi32, #tpu.memory_space<hbm>>
      %dma_wait3A_35 = arith.constant 0 : i32
      %dma_wait3A_36 = arith.constant 0 : i32
      %dma_wait3A_37 = tpu.memref_slice %arg3[%add3A, %dma_wait3A_35, %dma_wait3A_36] : memref<32x80x128xi32, #tpu.memory_space<hbm>> -> memref<1x40x128xi32, #tpu.memory_space<hbm>>
      %dma_wait3A_38 = tpu.memref_squeeze %dma_wait3A_37 : memref<1x40x128xi32, #tpu.memory_space<hbm>> -> memref<40x128xi32, #tpu.memory_space<hbm>>
      tpu.wait_dma2 semaphore(%run_scoped3A : memref<!tpu.dma_semaphore, #tpu.memory_space<semaphore_mem>>) src(%dma_wait3A_38 : memref<40x128xi32, #tpu.memory_space<hbm>>) dst(%arg7 : memref<40x128xi32, #tpu.memory_space<vmem>>)
      tpu.yield
    }) : () -> ()
    "tpu.region"() ({
      %run_scoped3A = tpu.sem_alloc : memref<!tpu.dma_semaphore, #tpu.memory_space<semaphore_mem>>
      %dma_start3A = arith.constant 0 : i32
      %dma_start3A_25 = arith.constant 0 : i32
      %dma_start3A_26 = tpu.memref_slice %arg4[%arg1, %dma_start3A, %dma_start3A_25] : memref<16x80x128xi32, #tpu.memory_space<hbm>> -> memref<1x40x128xi32, #tpu.memory_space<hbm>>
      %dma_start3A_27 = tpu.memref_squeeze %dma_start3A_26 : memref<1x40x128xi32, #tpu.memory_space<hbm>> -> memref<40x128xi32, #tpu.memory_space<hbm>>
      %dma_start3A_28 = arith.constant 0 : i32
      %dma_start3A_29 = arith.constant 0 : i32
      %dma_start3A_30 = tpu.memref_slice %arg4[%arg1, %dma_start3A_28, %dma_start3A_29] : memref<16x80x128xi32, #tpu.memory_space<hbm>> -> memref<1x40x128xi32, #tpu.memory_space<hbm>>
      %dma_start3A_31 = tpu.memref_squeeze %dma_start3A_30 : memref<1x40x128xi32, #tpu.memory_space<hbm>> -> memref<40x128xi32, #tpu.memory_space<hbm>>
      tpu.enqueue_dma source(%dma_start3A_31 : memref<40x128xi32, #tpu.memory_space<hbm>>) target(%arg8 : memref<40x128xi32, #tpu.memory_space<vmem>>) target_semaphore(%run_scoped3A : memref<!tpu.dma_semaphore, #tpu.memory_space<semaphore_mem>>)
      %dma_wait3A = arith.constant 0 : i32
      %dma_wait3A_32 = arith.constant 0 : i32
      %dma_wait3A_33 = tpu.memref_slice %arg4[%arg1, %dma_wait3A, %dma_wait3A_32] : memref<16x80x128xi32, #tpu.memory_space<hbm>> -> memref<1x40x128xi32, #tpu.memory_space<hbm>>
      %dma_wait3A_34 = tpu.memref_squeeze %dma_wait3A_33 : memref<1x40x128xi32, #tpu.memory_space<hbm>> -> memref<40x128xi32, #tpu.memory_space<hbm>>
      %dma_wait3A_35 = arith.constant 0 : i32
      %dma_wait3A_36 = arith.constant 0 : i32
      %dma_wait3A_37 = tpu.memref_slice %arg4[%arg1, %dma_wait3A_35, %dma_wait3A_36] : memref<16x80x128xi32, #tpu.memory_space<hbm>> -> memref<1x40x128xi32, #tpu.memory_space<hbm>>
      %dma_wait3A_38 = tpu.memref_squeeze %dma_wait3A_37 : memref<1x40x128xi32, #tpu.memory_space<hbm>> -> memref<40x128xi32, #tpu.memory_space<hbm>>
      tpu.wait_dma2 semaphore(%run_scoped3A : memref<!tpu.dma_semaphore, #tpu.memory_space<semaphore_mem>>) src(%dma_wait3A_38 : memref<40x128xi32, #tpu.memory_space<hbm>>) dst(%arg8 : memref<40x128xi32, #tpu.memory_space<vmem>>)
      tpu.yield
    }) : () -> ()
    %scan3A = arith.constant 0 : i32
    %scan3A_3 = arith.constant 0 : i32
    %scan3A_4 = arith.constant 20 : i32
    %scan3A_5 = arith.addi %scan3A_3, %scan3A_4 : i32
    %scan3A_6 = arith.constant 1 : i32
    scf.for %scan3A_25 = %scan3A_3 to %scan3A_5 step %scan3A_6  : i32 {
      %mul3A_26 = arith.constant 2 : i32
      %mul3A_27 = arith.muli %scan3A_25, %mul3A_26 : i32
      %add3A_28 = arith.constant 0 : i32
      %add3A_29 = arith.addi %mul3A_27, %add3A_28 : i32
      %dma_start3A = arith.constant 0 : i32
      %dma_start3A_30 = arith.constant 0 : i32
      %dma_start3A_31 = arith.constant 0 : i32
      %dma_start3A_32 = tpu.memref_slice %arg9[%dma_start3A, %dma_start3A_30, %dma_start3A_31] : memref<2x128x128xf32, #tpu.memory_space<vmem>> -> memref<1x128x128xf32, #tpu.memory_space<vmem>>
      %dma_start3A_33 = tpu.memref_squeeze %dma_start3A_32 : memref<1x128x128xf32, #tpu.memory_space<vmem>> -> memref<128x128xf32, #tpu.memory_space<vmem>>
      %dma_start3A_34 = arith.constant 0 : i32
      %dma_start3A_35 = tpu.memref_slice %arg7[%add3A_29, %dma_start3A_34] : memref<40x128xi32, #tpu.memory_space<vmem>> -> memref<1x128xi32, #tpu.memory_space<vmem>>
      %dma_start3A_36 = tpu.memref_squeeze %dma_start3A_35 : memref<1x128xi32, #tpu.memory_space<vmem>> -> memref<128xi32, #tpu.memory_space<vmem>>
      %dma_start3A_37 = arith.constant 0 : i32
      %dma_start3A_38 = arith.constant 0 : i32
      %dma_start3A_39 = tpu.memref_slice %arg2[%dma_start3A_37, %dma_start3A_38] : memref<22000x128xf32, #tpu.memory_space<hbm>> -> memref<22000x128xf32, #tpu.memory_space<hbm>>
      tpu.enqueue_indirect_dma source(%dma_start3A_39 : memref<22000x128xf32, #tpu.memory_space<hbm>>) target(%dma_start3A_33 : memref<128x128xf32, #tpu.memory_space<vmem>>) offsets(%dma_start3A_36 : memref<128xi32, #tpu.memory_space<vmem>>) semaphore(%arg11 : memref<!tpu.dma_semaphore, #tpu.memory_space<semaphore_mem>>)
      %mul3A_40 = arith.constant 2 : i32
      %mul3A_41 = arith.muli %scan3A_25, %mul3A_40 : i32
      %add3A_42 = arith.constant 1 : i32
      %add3A_43 = arith.addi %mul3A_41, %add3A_42 : i32
      %dma_start3A_44 = arith.constant 1 : i32
      %dma_start3A_45 = arith.constant 0 : i32
      %dma_start3A_46 = arith.constant 0 : i32
      %dma_start3A_47 = tpu.memref_slice %arg9[%dma_start3A_44, %dma_start3A_45, %dma_start3A_46] : memref<2x128x128xf32, #tpu.memory_space<vmem>> -> memref<1x128x128xf32, #tpu.memory_space<vmem>>
      %dma_start3A_48 = tpu.memref_squeeze %dma_start3A_47 : memref<1x128x128xf32, #tpu.memory_space<vmem>> -> memref<128x128xf32, #tpu.memory_space<vmem>>
      %dma_start3A_49 = arith.constant 0 : i32
      %dma_start3A_50 = tpu.memref_slice %arg7[%add3A_43, %dma_start3A_49] : memref<40x128xi32, #tpu.memory_space<vmem>> -> memref<1x128xi32, #tpu.memory_space<vmem>>
      %dma_start3A_51 = tpu.memref_squeeze %dma_start3A_50 : memref<1x128xi32, #tpu.memory_space<vmem>> -> memref<128xi32, #tpu.memory_space<vmem>>
      %dma_start3A_52 = arith.constant 0 : i32
      %dma_start3A_53 = arith.constant 0 : i32
      %dma_start3A_54 = tpu.memref_slice %arg2[%dma_start3A_52, %dma_start3A_53] : memref<22000x128xf32, #tpu.memory_space<hbm>> -> memref<22000x128xf32, #tpu.memory_space<hbm>>
      tpu.enqueue_indirect_dma source(%dma_start3A_54 : memref<22000x128xf32, #tpu.memory_space<hbm>>) target(%dma_start3A_48 : memref<128x128xf32, #tpu.memory_space<vmem>>) offsets(%dma_start3A_51 : memref<128xi32, #tpu.memory_space<vmem>>) semaphore(%arg11 : memref<!tpu.dma_semaphore, #tpu.memory_space<semaphore_mem>>)
      %dma_wait3A = arith.constant 0 : i32
      %dma_wait3A_55 = arith.constant 0 : i32
      %dma_wait3A_56 = arith.constant 0 : i32
      %dma_wait3A_57 = tpu.memref_slice %arg9[%dma_wait3A, %dma_wait3A_55, %dma_wait3A_56] : memref<2x128x128xf32, #tpu.memory_space<vmem>> -> memref<1x128x128xf32, #tpu.memory_space<vmem>>
      %dma_wait3A_58 = tpu.memref_squeeze %dma_wait3A_57 : memref<1x128x128xf32, #tpu.memory_space<vmem>> -> memref<128x128xf32, #tpu.memory_space<vmem>>
      %dma_wait3A_59 = arith.constant 0 : i32
      %dma_wait3A_60 = tpu.memref_slice %arg7[%add3A_29, %dma_wait3A_59] : memref<40x128xi32, #tpu.memory_space<vmem>> -> memref<1x128xi32, #tpu.memory_space<vmem>>
      %dma_wait3A_61 = tpu.memref_squeeze %dma_wait3A_60 : memref<1x128xi32, #tpu.memory_space<vmem>> -> memref<128xi32, #tpu.memory_space<vmem>>
      %dma_wait3A_62 = arith.constant 0 : i32
      %dma_wait3A_63 = arith.constant 0 : i32
      %dma_wait3A_64 = tpu.memref_slice %arg2[%dma_wait3A_62, %dma_wait3A_63] : memref<22000x128xf32, #tpu.memory_space<hbm>> -> memref<22000x128xf32, #tpu.memory_space<hbm>>
      tpu.wait_indirect_dma semaphore(%arg11 : memref<!tpu.dma_semaphore, #tpu.memory_space<semaphore_mem>>) src(%dma_wait3A_64 : memref<22000x128xf32, #tpu.memory_space<hbm>>) dst(%dma_wait3A_58 : memref<128x128xf32, #tpu.memory_space<vmem>>)
      %mul3A_65 = arith.constant 2 : i32
      %mul3A_66 = arith.muli %scan3A_25, %mul3A_65 : i32
      %add3A_67 = arith.constant 0 : i32
      %add3A_68 = arith.addi %mul3A_66, %add3A_67 : i32
      %dma_start3A_69 = arith.constant 0 : i32
      %dma_start3A_70 = arith.constant 0 : i32
      %dma_start3A_71 = arith.constant 0 : i32
      %dma_start3A_72 = tpu.memref_slice %arg9[%dma_start3A_69, %dma_start3A_70, %dma_start3A_71] : memref<2x128x128xf32, #tpu.memory_space<vmem>> -> memref<1x128x128xf32, #tpu.memory_space<vmem>>
      %dma_start3A_73 = tpu.memref_squeeze %dma_start3A_72 : memref<1x128x128xf32, #tpu.memory_space<vmem>> -> memref<128x128xf32, #tpu.memory_space<vmem>>
      %dma_start3A_74 = arith.constant 0 : i32
      %dma_start3A_75 = tpu.memref_slice %arg8[%add3A_68, %dma_start3A_74] : memref<40x128xi32, #tpu.memory_space<vmem>> -> memref<1x128xi32, #tpu.memory_space<vmem>>
      %dma_start3A_76 = tpu.memref_squeeze %dma_start3A_75 : memref<1x128xi32, #tpu.memory_space<vmem>> -> memref<128xi32, #tpu.memory_space<vmem>>
      %dma_start3A_77 = arith.constant 0 : i32
      %dma_start3A_78 = arith.constant 0 : i32
      %dma_start3A_79 = tpu.memref_slice %arg10[%dma_start3A_77, %dma_start3A_78] : memref<10112x128xf32, #tpu.memory_space<vmem_shared>> -> memref<10112x128xf32, #tpu.memory_space<vmem_shared>>
      tpu.enqueue_indirect_dma source(%dma_start3A_73 : memref<128x128xf32, #tpu.memory_space<vmem>>) target(%dma_start3A_79 : memref<10112x128xf32, #tpu.memory_space<vmem_shared>>) offsets(%dma_start3A_76 : memref<128xi32, #tpu.memory_space<vmem>>) semaphore(%arg12 : memref<!tpu.dma_semaphore, #tpu.memory_space<semaphore_mem>>) {add = true}
      %dma_wait3A_80 = arith.constant 1 : i32
      %dma_wait3A_81 = arith.constant 0 : i32
      %dma_wait3A_82 = arith.constant 0 : i32
      %dma_wait3A_83 = tpu.memref_slice %arg9[%dma_wait3A_80, %dma_wait3A_81, %dma_wait3A_82] : memref<2x128x128xf32, #tpu.memory_space<vmem>> -> memref<1x128x128xf32, #tpu.memory_space<vmem>>
      %dma_wait3A_84 = tpu.memref_squeeze %dma_wait3A_83 : memref<1x128x128xf32, #tpu.memory_space<vmem>> -> memref<128x128xf32, #tpu.memory_space<vmem>>
      %dma_wait3A_85 = arith.constant 0 : i32
      %dma_wait3A_86 = tpu.memref_slice %arg7[%add3A_43, %dma_wait3A_85] : memref<40x128xi32, #tpu.memory_space<vmem>> -> memref<1x128xi32, #tpu.memory_space<vmem>>
      %dma_wait3A_87 = tpu.memref_squeeze %dma_wait3A_86 : memref<1x128xi32, #tpu.memory_space<vmem>> -> memref<128xi32, #tpu.memory_space<vmem>>
      %dma_wait3A_88 = arith.constant 0 : i32
      %dma_wait3A_89 = arith.constant 0 : i32
      %dma_wait3A_90 = tpu.memref_slice %arg2[%dma_wait3A_88, %dma_wait3A_89] : memref<22000x128xf32, #tpu.memory_space<hbm>> -> memref<22000x128xf32, #tpu.memory_space<hbm>>
      tpu.wait_indirect_dma semaphore(%arg11 : memref<!tpu.dma_semaphore, #tpu.memory_space<semaphore_mem>>) src(%dma_wait3A_90 : memref<22000x128xf32, #tpu.memory_space<hbm>>) dst(%dma_wait3A_84 : memref<128x128xf32, #tpu.memory_space<vmem>>)
      %mul3A_91 = arith.constant 2 : i32
      %mul3A_92 = arith.muli %scan3A_25, %mul3A_91 : i32
      %add3A_93 = arith.constant 1 : i32
      %add3A_94 = arith.addi %mul3A_92, %add3A_93 : i32
      %dma_start3A_95 = arith.constant 1 : i32
      %dma_start3A_96 = arith.constant 0 : i32
      %dma_start3A_97 = arith.constant 0 : i32
      %dma_start3A_98 = tpu.memref_slice %arg9[%dma_start3A_95, %dma_start3A_96, %dma_start3A_97] : memref<2x128x128xf32, #tpu.memory_space<vmem>> -> memref<1x128x128xf32, #tpu.memory_space<vmem>>
      %dma_start3A_99 = tpu.memref_squeeze %dma_start3A_98 : memref<1x128x128xf32, #tpu.memory_space<vmem>> -> memref<128x128xf32, #tpu.memory_space<vmem>>
      %dma_start3A_100 = arith.constant 0 : i32
      %dma_start3A_101 = tpu.memref_slice %arg8[%add3A_94, %dma_start3A_100] : memref<40x128xi32, #tpu.memory_space<vmem>> -> memref<1x128xi32, #tpu.memory_space<vmem>>
      %dma_start3A_102 = tpu.memref_squeeze %dma_start3A_101 : memref<1x128xi32, #tpu.memory_space<vmem>> -> memref<128xi32, #tpu.memory_space<vmem>>
      %dma_start3A_103 = arith.constant 0 : i32
      %dma_start3A_104 = arith.constant 0 : i32
      %dma_start3A_105 = tpu.memref_slice %arg10[%dma_start3A_103, %dma_start3A_104] : memref<10112x128xf32, #tpu.memory_space<vmem_shared>> -> memref<10112x128xf32, #tpu.memory_space<vmem_shared>>
      tpu.enqueue_indirect_dma source(%dma_start3A_99 : memref<128x128xf32, #tpu.memory_space<vmem>>) target(%dma_start3A_105 : memref<10112x128xf32, #tpu.memory_space<vmem_shared>>) offsets(%dma_start3A_102 : memref<128xi32, #tpu.memory_space<vmem>>) semaphore(%arg12 : memref<!tpu.dma_semaphore, #tpu.memory_space<semaphore_mem>>) {add = true}
      %dma_wait3A_106 = arith.constant 0 : i32
      %dma_wait3A_107 = arith.constant 0 : i32
      %dma_wait3A_108 = arith.constant 0 : i32
      %dma_wait3A_109 = tpu.memref_slice %arg9[%dma_wait3A_106, %dma_wait3A_107, %dma_wait3A_108] : memref<2x128x128xf32, #tpu.memory_space<vmem>> -> memref<1x128x128xf32, #tpu.memory_space<vmem>>
      %dma_wait3A_110 = tpu.memref_squeeze %dma_wait3A_109 : memref<1x128x128xf32, #tpu.memory_space<vmem>> -> memref<128x128xf32, #tpu.memory_space<vmem>>
      %dma_wait3A_111 = arith.constant 0 : i32
      %dma_wait3A_112 = tpu.memref_slice %arg8[%add3A_68, %dma_wait3A_111] : memref<40x128xi32, #tpu.memory_space<vmem>> -> memref<1x128xi32, #tpu.memory_space<vmem>>
      %dma_wait3A_113 = tpu.memref_squeeze %dma_wait3A_112 : memref<1x128xi32, #tpu.memory_space<vmem>> -> memref<128xi32, #tpu.memory_space<vmem>>
      %dma_wait3A_114 = arith.constant 0 : i32
      %dma_wait3A_115 = arith.constant 0 : i32
      %dma_wait3A_116 = tpu.memref_slice %arg10[%dma_wait3A_114, %dma_wait3A_115] : memref<10112x128xf32, #tpu.memory_space<vmem_shared>> -> memref<10112x128xf32, #tpu.memory_space<vmem_shared>>
      tpu.wait_indirect_dma semaphore(%arg12 : memref<!tpu.dma_semaphore, #tpu.memory_space<semaphore_mem>>) src(%dma_wait3A_110 : memref<128x128xf32, #tpu.memory_space<vmem>>) dst(%dma_wait3A_116 : memref<10112x128xf32, #tpu.memory_space<vmem_shared>>)
      %dma_wait3A_117 = arith.constant 1 : i32
      %dma_wait3A_118 = arith.constant 0 : i32
      %dma_wait3A_119 = arith.constant 0 : i32
      %dma_wait3A_120 = tpu.memref_slice %arg9[%dma_wait3A_117, %dma_wait3A_118, %dma_wait3A_119] : memref<2x128x128xf32, #tpu.memory_space<vmem>> -> memref<1x128x128xf32, #tpu.memory_space<vmem>>
      %dma_wait3A_121 = tpu.memref_squeeze %dma_wait3A_120 : memref<1x128x128xf32, #tpu.memory_space<vmem>> -> memref<128x128xf32, #tpu.memory_space<vmem>>
      %dma_wait3A_122 = arith.constant 0 : i32
      %dma_wait3A_123 = tpu.memref_slice %arg8[%add3A_94, %dma_wait3A_122] : memref<40x128xi32, #tpu.memory_space<vmem>> -> memref<1x128xi32, #tpu.memory_space<vmem>>
      %dma_wait3A_124 = tpu.memref_squeeze %dma_wait3A_123 : memref<1x128xi32, #tpu.memory_space<vmem>> -> memref<128xi32, #tpu.memory_space<vmem>>
      %dma_wait3A_125 = arith.constant 0 : i32
      %dma_wait3A_126 = arith.constant 0 : i32
      %dma_wait3A_127 = tpu.memref_slice %arg10[%dma_wait3A_125, %dma_wait3A_126] : memref<10112x128xf32, #tpu.memory_space<vmem_shared>> -> memref<10112x128xf32, #tpu.memory_space<vmem_shared>>
      tpu.wait_indirect_dma semaphore(%arg12 : memref<!tpu.dma_semaphore, #tpu.memory_space<semaphore_mem>>) src(%dma_wait3A_121 : memref<128x128xf32, #tpu.memory_space<vmem>>) dst(%dma_wait3A_127 : memref<10112x128xf32, #tpu.memory_space<vmem_shared>>)
    }
    %scan3A_7 = arith.constant 20 : i32
    %mul3A_8 = arith.constant 16 : i32
    %mul3A_9 = arith.muli %arg0, %mul3A_8 : i32
    %add3A_10 = arith.addi %mul3A_9, %arg1 : i32
    "tpu.region"() ({
      %run_scoped3A = tpu.sem_alloc : memref<!tpu.dma_semaphore, #tpu.memory_space<semaphore_mem>>
      %dma_start3A = arith.constant 40 : i32
      %dma_start3A_25 = arith.constant 0 : i32
      %dma_start3A_26 = tpu.memref_slice %arg3[%add3A_10, %dma_start3A, %dma_start3A_25] : memref<32x80x128xi32, #tpu.memory_space<hbm>> -> memref<1x40x128xi32, #tpu.memory_space<hbm>>
      %dma_start3A_27 = tpu.memref_squeeze %dma_start3A_26 : memref<1x40x128xi32, #tpu.memory_space<hbm>> -> memref<40x128xi32, #tpu.memory_space<hbm>>
      %dma_start3A_28 = arith.constant 40 : i32
      %dma_start3A_29 = arith.constant 0 : i32
      %dma_start3A_30 = tpu.memref_slice %arg3[%add3A_10, %dma_start3A_28, %dma_start3A_29] : memref<32x80x128xi32, #tpu.memory_space<hbm>> -> memref<1x40x128xi32, #tpu.memory_space<hbm>>
      %dma_start3A_31 = tpu.memref_squeeze %dma_start3A_30 : memref<1x40x128xi32, #tpu.memory_space<hbm>> -> memref<40x128xi32, #tpu.memory_space<hbm>>
      tpu.enqueue_dma source(%dma_start3A_31 : memref<40x128xi32, #tpu.memory_space<hbm>>) target(%arg7 : memref<40x128xi32, #tpu.memory_space<vmem>>) target_semaphore(%run_scoped3A : memref<!tpu.dma_semaphore, #tpu.memory_space<semaphore_mem>>)
      %dma_wait3A = arith.constant 40 : i32
      %dma_wait3A_32 = arith.constant 0 : i32
      %dma_wait3A_33 = tpu.memref_slice %arg3[%add3A_10, %dma_wait3A, %dma_wait3A_32] : memref<32x80x128xi32, #tpu.memory_space<hbm>> -> memref<1x40x128xi32, #tpu.memory_space<hbm>>
      %dma_wait3A_34 = tpu.memref_squeeze %dma_wait3A_33 : memref<1x40x128xi32, #tpu.memory_space<hbm>> -> memref<40x128xi32, #tpu.memory_space<hbm>>
      %dma_wait3A_35 = arith.constant 40 : i32
      %dma_wait3A_36 = arith.constant 0 : i32
      %dma_wait3A_37 = tpu.memref_slice %arg3[%add3A_10, %dma_wait3A_35, %dma_wait3A_36] : memref<32x80x128xi32, #tpu.memory_space<hbm>> -> memref<1x40x128xi32, #tpu.memory_space<hbm>>
      %dma_wait3A_38 = tpu.memref_squeeze %dma_wait3A_37 : memref<1x40x128xi32, #tpu.memory_space<hbm>> -> memref<40x128xi32, #tpu.memory_space<hbm>>
      tpu.wait_dma2 semaphore(%run_scoped3A : memref<!tpu.dma_semaphore, #tpu.memory_space<semaphore_mem>>) src(%dma_wait3A_38 : memref<40x128xi32, #tpu.memory_space<hbm>>) dst(%arg7 : memref<40x128xi32, #tpu.memory_space<vmem>>)
      tpu.yield
    }) : () -> ()
    "tpu.region"() ({
      %run_scoped3A = tpu.sem_alloc : memref<!tpu.dma_semaphore, #tpu.memory_space<semaphore_mem>>
      %dma_start3A = arith.constant 40 : i32
      %dma_start3A_25 = arith.constant 0 : i32
      %dma_start3A_26 = tpu.memref_slice %arg4[%arg1, %dma_start3A, %dma_start3A_25] : memref<16x80x128xi32, #tpu.memory_space<hbm>> -> memref<1x40x128xi32, #tpu.memory_space<hbm>>
      %dma_start3A_27 = tpu.memref_squeeze %dma_start3A_26 : memref<1x40x128xi32, #tpu.memory_space<hbm>> -> memref<40x128xi32, #tpu.memory_space<hbm>>
      %dma_start3A_28 = arith.constant 40 : i32
      %dma_start3A_29 = arith.constant 0 : i32
      %dma_start3A_30 = tpu.memref_slice %arg4[%arg1, %dma_start3A_28, %dma_start3A_29] : memref<16x80x128xi32, #tpu.memory_space<hbm>> -> memref<1x40x128xi32, #tpu.memory_space<hbm>>
      %dma_start3A_31 = tpu.memref_squeeze %dma_start3A_30 : memref<1x40x128xi32, #tpu.memory_space<hbm>> -> memref<40x128xi32, #tpu.memory_space<hbm>>
      tpu.enqueue_dma source(%dma_start3A_31 : memref<40x128xi32, #tpu.memory_space<hbm>>) target(%arg8 : memref<40x128xi32, #tpu.memory_space<vmem>>) target_semaphore(%run_scoped3A : memref<!tpu.dma_semaphore, #tpu.memory_space<semaphore_mem>>)
      %dma_wait3A = arith.constant 40 : i32
      %dma_wait3A_32 = arith.constant 0 : i32
      %dma_wait3A_33 = tpu.memref_slice %arg4[%arg1, %dma_wait3A, %dma_wait3A_32] : memref<16x80x128xi32, #tpu.memory_space<hbm>> -> memref<1x40x128xi32, #tpu.memory_space<hbm>>
      %dma_wait3A_34 = tpu.memref_squeeze %dma_wait3A_33 : memref<1x40x128xi32, #tpu.memory_space<hbm>> -> memref<40x128xi32, #tpu.memory_space<hbm>>
      %dma_wait3A_35 = arith.constant 40 : i32
      %dma_wait3A_36 = arith.constant 0 : i32
      %dma_wait3A_37 = tpu.memref_slice %arg4[%arg1, %dma_wait3A_35, %dma_wait3A_36] : memref<16x80x128xi32, #tpu.memory_space<hbm>> -> memref<1x40x128xi32, #tpu.memory_space<hbm>>
      %dma_wait3A_38 = tpu.memref_squeeze %dma_wait3A_37 : memref<1x40x128xi32, #tpu.memory_space<hbm>> -> memref<40x128xi32, #tpu.memory_space<hbm>>
      tpu.wait_dma2 semaphore(%run_scoped3A : memref<!tpu.dma_semaphore, #tpu.memory_space<semaphore_mem>>) src(%dma_wait3A_38 : memref<40x128xi32, #tpu.memory_space<hbm>>) dst(%arg8 : memref<40x128xi32, #tpu.memory_space<vmem>>)
      tpu.yield
    }) : () -> ()
    %scan3A_11 = arith.constant 0 : i32
    %scan3A_12 = arith.constant 0 : i32
    %scan3A_13 = arith.constant 20 : i32
    %scan3A_14 = arith.addi %scan3A_12, %scan3A_13 : i32
    %scan3A_15 = arith.constant 1 : i32
    scf.for %scan3A_25 = %scan3A_12 to %scan3A_14 step %scan3A_15  : i32 {
      %mul3A_26 = arith.constant 2 : i32
      %mul3A_27 = arith.muli %scan3A_25, %mul3A_26 : i32
      %add3A_28 = arith.constant 0 : i32
      %add3A_29 = arith.addi %mul3A_27, %add3A_28 : i32
      %dma_start3A = arith.constant 0 : i32
      %dma_start3A_30 = arith.constant 0 : i32
      %dma_start3A_31 = arith.constant 0 : i32
      %dma_start3A_32 = tpu.memref_slice %arg9[%dma_start3A, %dma_start3A_30, %dma_start3A_31] : memref<2x128x128xf32, #tpu.memory_space<vmem>> -> memref<1x128x128xf32, #tpu.memory_space<vmem>>
      %dma_start3A_33 = tpu.memref_squeeze %dma_start3A_32 : memref<1x128x128xf32, #tpu.memory_space<vmem>> -> memref<128x128xf32, #tpu.memory_space<vmem>>
      %dma_start3A_34 = arith.constant 0 : i32
      %dma_start3A_35 = tpu.memref_slice %arg7[%add3A_29, %dma_start3A_34] : memref<40x128xi32, #tpu.memory_space<vmem>> -> memref<1x128xi32, #tpu.memory_space<vmem>>
      %dma_start3A_36 = tpu.memref_squeeze %dma_start3A_35 : memref<1x128xi32, #tpu.memory_space<vmem>> -> memref<128xi32, #tpu.memory_space<vmem>>
      %dma_start3A_37 = arith.constant 0 : i32
      %dma_start3A_38 = arith.constant 0 : i32
      %dma_start3A_39 = tpu.memref_slice %arg2[%dma_start3A_37, %dma_start3A_38] : memref<22000x128xf32, #tpu.memory_space<hbm>> -> memref<22000x128xf32, #tpu.memory_space<hbm>>
      tpu.enqueue_indirect_dma source(%dma_start3A_39 : memref<22000x128xf32, #tpu.memory_space<hbm>>) target(%dma_start3A_33 : memref<128x128xf32, #tpu.memory_space<vmem>>) offsets(%dma_start3A_36 : memref<128xi32, #tpu.memory_space<vmem>>) semaphore(%arg11 : memref<!tpu.dma_semaphore, #tpu.memory_space<semaphore_mem>>)
      %mul3A_40 = arith.constant 2 : i32
      %mul3A_41 = arith.muli %scan3A_25, %mul3A_40 : i32
      %add3A_42 = arith.constant 1 : i32
      %add3A_43 = arith.addi %mul3A_41, %add3A_42 : i32
      %dma_start3A_44 = arith.constant 1 : i32
      %dma_start3A_45 = arith.constant 0 : i32
      %dma_start3A_46 = arith.constant 0 : i32
      %dma_start3A_47 = tpu.memref_slice %arg9[%dma_start3A_44, %dma_start3A_45, %dma_start3A_46] : memref<2x128x128xf32, #tpu.memory_space<vmem>> -> memref<1x128x128xf32, #tpu.memory_space<vmem>>
      %dma_start3A_48 = tpu.memref_squeeze %dma_start3A_47 : memref<1x128x128xf32, #tpu.memory_space<vmem>> -> memref<128x128xf32, #tpu.memory_space<vmem>>
      %dma_start3A_49 = arith.constant 0 : i32
      %dma_start3A_50 = tpu.memref_slice %arg7[%add3A_43, %dma_start3A_49] : memref<40x128xi32, #tpu.memory_space<vmem>> -> memref<1x128xi32, #tpu.memory_space<vmem>>
      %dma_start3A_51 = tpu.memref_squeeze %dma_start3A_50 : memref<1x128xi32, #tpu.memory_space<vmem>> -> memref<128xi32, #tpu.memory_space<vmem>>
      %dma_start3A_52 = arith.constant 0 : i32
      %dma_start3A_53 = arith.constant 0 : i32
      %dma_start3A_54 = tpu.memref_slice %arg2[%dma_start3A_52, %dma_start3A_53] : memref<22000x128xf32, #tpu.memory_space<hbm>> -> memref<22000x128xf32, #tpu.memory_space<hbm>>
      tpu.enqueue_indirect_dma source(%dma_start3A_54 : memref<22000x128xf32, #tpu.memory_space<hbm>>) target(%dma_start3A_48 : memref<128x128xf32, #tpu.memory_space<vmem>>) offsets(%dma_start3A_51 : memref<128xi32, #tpu.memory_space<vmem>>) semaphore(%arg11 : memref<!tpu.dma_semaphore, #tpu.memory_space<semaphore_mem>>)
      %dma_wait3A = arith.constant 0 : i32
      %dma_wait3A_55 = arith.constant 0 : i32
      %dma_wait3A_56 = arith.constant 0 : i32
      %dma_wait3A_57 = tpu.memref_slice %arg9[%dma_wait3A, %dma_wait3A_55, %dma_wait3A_56] : memref<2x128x128xf32, #tpu.memory_space<vmem>> -> memref<1x128x128xf32, #tpu.memory_space<vmem>>
      %dma_wait3A_58 = tpu.memref_squeeze %dma_wait3A_57 : memref<1x128x128xf32, #tpu.memory_space<vmem>> -> memref<128x128xf32, #tpu.memory_space<vmem>>
      %dma_wait3A_59 = arith.constant 0 : i32
      %dma_wait3A_60 = tpu.memref_slice %arg7[%add3A_29, %dma_wait3A_59] : memref<40x128xi32, #tpu.memory_space<vmem>> -> memref<1x128xi32, #tpu.memory_space<vmem>>
      %dma_wait3A_61 = tpu.memref_squeeze %dma_wait3A_60 : memref<1x128xi32, #tpu.memory_space<vmem>> -> memref<128xi32, #tpu.memory_space<vmem>>
      %dma_wait3A_62 = arith.constant 0 : i32
      %dma_wait3A_63 = arith.constant 0 : i32
      %dma_wait3A_64 = tpu.memref_slice %arg2[%dma_wait3A_62, %dma_wait3A_63] : memref<22000x128xf32, #tpu.memory_space<hbm>> -> memref<22000x128xf32, #tpu.memory_space<hbm>>
      tpu.wait_indirect_dma semaphore(%arg11 : memref<!tpu.dma_semaphore, #tpu.memory_space<semaphore_mem>>) src(%dma_wait3A_64 : memref<22000x128xf32, #tpu.memory_space<hbm>>) dst(%dma_wait3A_58 : memref<128x128xf32, #tpu.memory_space<vmem>>)
      %mul3A_65 = arith.constant 2 : i32
      %mul3A_66 = arith.muli %scan3A_25, %mul3A_65 : i32
      %add3A_67 = arith.constant 0 : i32
      %add3A_68 = arith.addi %mul3A_66, %add3A_67 : i32
      %dma_start3A_69 = arith.constant 0 : i32
      %dma_start3A_70 = arith.constant 0 : i32
      %dma_start3A_71 = arith.constant 0 : i32
      %dma_start3A_72 = tpu.memref_slice %arg9[%dma_start3A_69, %dma_start3A_70, %dma_start3A_71] : memref<2x128x128xf32, #tpu.memory_space<vmem>> -> memref<1x128x128xf32, #tpu.memory_space<vmem>>
      %dma_start3A_73 = tpu.memref_squeeze %dma_start3A_72 : memref<1x128x128xf32, #tpu.memory_space<vmem>> -> memref<128x128xf32, #tpu.memory_space<vmem>>
      %dma_start3A_74 = arith.constant 0 : i32
      %dma_start3A_75 = tpu.memref_slice %arg8[%add3A_68, %dma_start3A_74] : memref<40x128xi32, #tpu.memory_space<vmem>> -> memref<1x128xi32, #tpu.memory_space<vmem>>
      %dma_start3A_76 = tpu.memref_squeeze %dma_start3A_75 : memref<1x128xi32, #tpu.memory_space<vmem>> -> memref<128xi32, #tpu.memory_space<vmem>>
      %dma_start3A_77 = arith.constant 0 : i32
      %dma_start3A_78 = arith.constant 0 : i32
      %dma_start3A_79 = tpu.memref_slice %arg10[%dma_start3A_77, %dma_start3A_78] : memref<10112x128xf32, #tpu.memory_space<vmem_shared>> -> memref<10112x128xf32, #tpu.memory_space<vmem_shared>>
      tpu.enqueue_indirect_dma source(%dma_start3A_73 : memref<128x128xf32, #tpu.memory_space<vmem>>) target(%dma_start3A_79 : memref<10112x128xf32, #tpu.memory_space<vmem_shared>>) offsets(%dma_start3A_76 : memref<128xi32, #tpu.memory_space<vmem>>) semaphore(%arg12 : memref<!tpu.dma_semaphore, #tpu.memory_space<semaphore_mem>>) {add = true}
      %dma_wait3A_80 = arith.constant 1 : i32
      %dma_wait3A_81 = arith.constant 0 : i32
      %dma_wait3A_82 = arith.constant 0 : i32
      %dma_wait3A_83 = tpu.memref_slice %arg9[%dma_wait3A_80, %dma_wait3A_81, %dma_wait3A_82] : memref<2x128x128xf32, #tpu.memory_space<vmem>> -> memref<1x128x128xf32, #tpu.memory_space<vmem>>
      %dma_wait3A_84 = tpu.memref_squeeze %dma_wait3A_83 : memref<1x128x128xf32, #tpu.memory_space<vmem>> -> memref<128x128xf32, #tpu.memory_space<vmem>>
      %dma_wait3A_85 = arith.constant 0 : i32
      %dma_wait3A_86 = tpu.memref_slice %arg7[%add3A_43, %dma_wait3A_85] : memref<40x128xi32, #tpu.memory_space<vmem>> -> memref<1x128xi32, #tpu.memory_space<vmem>>
      %dma_wait3A_87 = tpu.memref_squeeze %dma_wait3A_86 : memref<1x128xi32, #tpu.memory_space<vmem>> -> memref<128xi32, #tpu.memory_space<vmem>>
      %dma_wait3A_88 = arith.constant 0 : i32
      %dma_wait3A_89 = arith.constant 0 : i32
      %dma_wait3A_90 = tpu.memref_slice %arg2[%dma_wait3A_88, %dma_wait3A_89] : memref<22000x128xf32, #tpu.memory_space<hbm>> -> memref<22000x128xf32, #tpu.memory_space<hbm>>
      tpu.wait_indirect_dma semaphore(%arg11 : memref<!tpu.dma_semaphore, #tpu.memory_space<semaphore_mem>>) src(%dma_wait3A_90 : memref<22000x128xf32, #tpu.memory_space<hbm>>) dst(%dma_wait3A_84 : memref<128x128xf32, #tpu.memory_space<vmem>>)
      %mul3A_91 = arith.constant 2 : i32
      %mul3A_92 = arith.muli %scan3A_25, %mul3A_91 : i32
      %add3A_93 = arith.constant 1 : i32
      %add3A_94 = arith.addi %mul3A_92, %add3A_93 : i32
      %dma_start3A_95 = arith.constant 1 : i32
      %dma_start3A_96 = arith.constant 0 : i32
      %dma_start3A_97 = arith.constant 0 : i32
      %dma_start3A_98 = tpu.memref_slice %arg9[%dma_start3A_95, %dma_start3A_96, %dma_start3A_97] : memref<2x128x128xf32, #tpu.memory_space<vmem>> -> memref<1x128x128xf32, #tpu.memory_space<vmem>>
      %dma_start3A_99 = tpu.memref_squeeze %dma_start3A_98 : memref<1x128x128xf32, #tpu.memory_space<vmem>> -> memref<128x128xf32, #tpu.memory_space<vmem>>
      %dma_start3A_100 = arith.constant 0 : i32
      %dma_start3A_101 = tpu.memref_slice %arg8[%add3A_94, %dma_start3A_100] : memref<40x128xi32, #tpu.memory_space<vmem>> -> memref<1x128xi32, #tpu.memory_space<vmem>>
      %dma_start3A_102 = tpu.memref_squeeze %dma_start3A_101 : memref<1x128xi32, #tpu.memory_space<vmem>> -> memref<128xi32, #tpu.memory_space<vmem>>
      %dma_start3A_103 = arith.constant 0 : i32
      %dma_start3A_104 = arith.constant 0 : i32
      %dma_start3A_105 = tpu.memref_slice %arg10[%dma_start3A_103, %dma_start3A_104] : memref<10112x128xf32, #tpu.memory_space<vmem_shared>> -> memref<10112x128xf32, #tpu.memory_space<vmem_shared>>
      tpu.enqueue_indirect_dma source(%dma_start3A_99 : memref<128x128xf32, #tpu.memory_space<vmem>>) target(%dma_start3A_105 : memref<10112x128xf32, #tpu.memory_space<vmem_shared>>) offsets(%dma_start3A_102 : memref<128xi32, #tpu.memory_space<vmem>>) semaphore(%arg12 : memref<!tpu.dma_semaphore, #tpu.memory_space<semaphore_mem>>) {add = true}
      %dma_wait3A_106 = arith.constant 0 : i32
      %dma_wait3A_107 = arith.constant 0 : i32
      %dma_wait3A_108 = arith.constant 0 : i32
      %dma_wait3A_109 = tpu.memref_slice %arg9[%dma_wait3A_106, %dma_wait3A_107, %dma_wait3A_108] : memref<2x128x128xf32, #tpu.memory_space<vmem>> -> memref<1x128x128xf32, #tpu.memory_space<vmem>>
      %dma_wait3A_110 = tpu.memref_squeeze %dma_wait3A_109 : memref<1x128x128xf32, #tpu.memory_space<vmem>> -> memref<128x128xf32, #tpu.memory_space<vmem>>
      %dma_wait3A_111 = arith.constant 0 : i32
      %dma_wait3A_112 = tpu.memref_slice %arg8[%add3A_68, %dma_wait3A_111] : memref<40x128xi32, #tpu.memory_space<vmem>> -> memref<1x128xi32, #tpu.memory_space<vmem>>
      %dma_wait3A_113 = tpu.memref_squeeze %dma_wait3A_112 : memref<1x128xi32, #tpu.memory_space<vmem>> -> memref<128xi32, #tpu.memory_space<vmem>>
      %dma_wait3A_114 = arith.constant 0 : i32
      %dma_wait3A_115 = arith.constant 0 : i32
      %dma_wait3A_116 = tpu.memref_slice %arg10[%dma_wait3A_114, %dma_wait3A_115] : memref<10112x128xf32, #tpu.memory_space<vmem_shared>> -> memref<10112x128xf32, #tpu.memory_space<vmem_shared>>
      tpu.wait_indirect_dma semaphore(%arg12 : memref<!tpu.dma_semaphore, #tpu.memory_space<semaphore_mem>>) src(%dma_wait3A_110 : memref<128x128xf32, #tpu.memory_space<vmem>>) dst(%dma_wait3A_116 : memref<10112x128xf32, #tpu.memory_space<vmem_shared>>)
      %dma_wait3A_117 = arith.constant 1 : i32
      %dma_wait3A_118 = arith.constant 0 : i32
      %dma_wait3A_119 = arith.constant 0 : i32
      %dma_wait3A_120 = tpu.memref_slice %arg9[%dma_wait3A_117, %dma_wait3A_118, %dma_wait3A_119] : memref<2x128x128xf32, #tpu.memory_space<vmem>> -> memref<1x128x128xf32, #tpu.memory_space<vmem>>
      %dma_wait3A_121 = tpu.memref_squeeze %dma_wait3A_120 : memref<1x128x128xf32, #tpu.memory_space<vmem>> -> memref<128x128xf32, #tpu.memory_space<vmem>>
      %dma_wait3A_122 = arith.constant 0 : i32
      %dma_wait3A_123 = tpu.memref_slice %arg8[%add3A_94, %dma_wait3A_122] : memref<40x128xi32, #tpu.memory_space<vmem>> -> memref<1x128xi32, #tpu.memory_space<vmem>>
      %dma_wait3A_124 = tpu.memref_squeeze %dma_wait3A_123 : memref<1x128xi32, #tpu.memory_space<vmem>> -> memref<128xi32, #tpu.memory_space<vmem>>
      %dma_wait3A_125 = arith.constant 0 : i32
      %dma_wait3A_126 = arith.constant 0 : i32
      %dma_wait3A_127 = tpu.memref_slice %arg10[%dma_wait3A_125, %dma_wait3A_126] : memref<10112x128xf32, #tpu.memory_space<vmem_shared>> -> memref<10112x128xf32, #tpu.memory_space<vmem_shared>>
      tpu.wait_indirect_dma semaphore(%arg12 : memref<!tpu.dma_semaphore, #tpu.memory_space<semaphore_mem>>) src(%dma_wait3A_121 : memref<128x128xf32, #tpu.memory_space<vmem>>) dst(%dma_wait3A_127 : memref<10112x128xf32, #tpu.memory_space<vmem_shared>>)
    }
    %scan3A_16 = arith.constant 20 : i32
    %barrier3A_17 = arith.constant 0 : index
    tpu.barrier barrier_id(%barrier3A_17)
    %mul3A_18 = arith.constant 632 : i32
    %mul3A_19 = arith.muli %arg1, %mul3A_18 : i32
    %mul3A_20 = arith.constant 11000 : i32
    %mul3A_21 = arith.muli %arg0, %mul3A_20 : i32
    %mul3A_22 = arith.constant 632 : i32
    %mul3A_23 = arith.muli %arg1, %mul3A_22 : i32
    %add3A_24 = arith.addi %mul3A_21, %mul3A_23 : i32
    "tpu.region"() ({
      %run_scoped3A = tpu.sem_alloc : memref<!tpu.dma_semaphore, #tpu.memory_space<semaphore_mem>>
      %dma_start3A = arith.constant 0 : i32
      %dma_start3A_25 = tpu.memref_slice %arg6[%add3A_24, %dma_start3A] : memref<22000x128xf32, #tpu.memory_space<hbm>> -> memref<632x128xf32, #tpu.memory_space<hbm>>
      %dma_start3A_26 = arith.constant 0 : i32
      %dma_start3A_27 = tpu.memref_slice %arg10[%mul3A_19, %dma_start3A_26] : memref<10112x128xf32, #tpu.memory_space<vmem_shared>> -> memref<632x128xf32, #tpu.memory_space<vmem_shared>>
      tpu.enqueue_dma source(%dma_start3A_27 : memref<632x128xf32, #tpu.memory_space<vmem_shared>>) target(%dma_start3A_25 : memref<632x128xf32, #tpu.memory_space<hbm>>) target_semaphore(%run_scoped3A : memref<!tpu.dma_semaphore, #tpu.memory_space<semaphore_mem>>)
      %dma_wait3A = arith.constant 0 : i32
      %dma_wait3A_28 = tpu.memref_slice %arg6[%add3A_24, %dma_wait3A] : memref<22000x128xf32, #tpu.memory_space<hbm>> -> memref<632x128xf32, #tpu.memory_space<hbm>>
      %dma_wait3A_29 = arith.constant 0 : i32
      %dma_wait3A_30 = tpu.memref_slice %arg10[%mul3A_19, %dma_wait3A_29] : memref<10112x128xf32, #tpu.memory_space<vmem_shared>> -> memref<632x128xf32, #tpu.memory_space<vmem_shared>>
      tpu.wait_dma2 semaphore(%run_scoped3A : memref<!tpu.dma_semaphore, #tpu.memory_space<semaphore_mem>>) src(%dma_wait3A_30 : memref<632x128xf32, #tpu.memory_space<vmem_shared>>) dst(%dma_wait3A_28 : memref<632x128xf32, #tpu.memory_space<hbm>>)
      tpu.yield
    }) : () -> ()
    return
  }
}

#map = affine_map<(d0, d1) -> (0, 0, 0)>
#map1 = affine_map<(d0, d1) -> (0, 0)>
module attributes {stable_mosaic.version = 14 : i64} {
  func.func @deg(%arg0: i32, %arg1: i32, %arg2: memref<32x40x128xi32, #tpu.memory_space<hbm>>, %arg3: memref<632x128xf32, #tpu.memory_space<hbm>>, %arg4: memref<128x128xf32, #tpu.memory_space<hbm>>, %arg5: memref<22000x128xf32, #tpu.memory_space<hbm>>, %arg6: memref<40x128xi32, #tpu.memory_space<vmem>>, %arg7: memref<128x128xf32, #tpu.memory_space<vmem>>, %arg8: memref<10112x128xf32, #tpu.memory_space<vmem_shared>>, %arg9: memref<!tpu.dma_semaphore, #tpu.memory_space<semaphore_mem>>) attributes {dimension_semantics = [#tpu.dimension_semantics<core_parallel>, #tpu.dimension_semantics<subcore_parallel>], iteration_bounds = array<i64: 2, 16>, scalar_prefetch = 0 : i64, scratch_operands = 4 : i64, tpu.core_type = #tpu.core_type<sc_vector_subcore>, window_params = [{transform_indices = #map}, {transform_indices = #map1}, {transform_indices = #map1}, {transform_indices = #map1}]} {
    "tpu.region"() ({
      %run_scoped3A = tpu.sem_alloc : memref<!tpu.dma_semaphore, #tpu.memory_space<semaphore_mem>>
      tpu.enqueue_dma source(%arg4 : memref<128x128xf32, #tpu.memory_space<hbm>>) target(%arg7 : memref<128x128xf32, #tpu.memory_space<vmem>>) target_semaphore(%run_scoped3A : memref<!tpu.dma_semaphore, #tpu.memory_space<semaphore_mem>>)
      tpu.wait_dma2 semaphore(%run_scoped3A : memref<!tpu.dma_semaphore, #tpu.memory_space<semaphore_mem>>) src(%arg4 : memref<128x128xf32, #tpu.memory_space<hbm>>) dst(%arg7 : memref<128x128xf32, #tpu.memory_space<vmem>>)
      tpu.yield
    }) : () -> ()
    %mul3A = arith.constant 16 : i32
    %mul3A_0 = arith.muli %arg0, %mul3A : i32
    %add3A = arith.addi %mul3A_0, %arg1 : i32
    "tpu.region"() ({
      %run_scoped3A = tpu.sem_alloc : memref<!tpu.dma_semaphore, #tpu.memory_space<semaphore_mem>>
      %dma_start3A = arith.constant 0 : i32
      %dma_start3A_16 = arith.constant 0 : i32
      %dma_start3A_17 = tpu.memref_slice %arg2[%add3A, %dma_start3A, %dma_start3A_16] : memref<32x40x128xi32, #tpu.memory_space<hbm>> -> memref<1x40x128xi32, #tpu.memory_space<hbm>>
      %dma_start3A_18 = tpu.memref_squeeze %dma_start3A_17 : memref<1x40x128xi32, #tpu.memory_space<hbm>> -> memref<40x128xi32, #tpu.memory_space<hbm>>
      %dma_start3A_19 = arith.constant 0 : i32
      %dma_start3A_20 = arith.constant 0 : i32
      %dma_start3A_21 = tpu.memref_slice %arg2[%add3A, %dma_start3A_19, %dma_start3A_20] : memref<32x40x128xi32, #tpu.memory_space<hbm>> -> memref<1x40x128xi32, #tpu.memory_space<hbm>>
      %dma_start3A_22 = tpu.memref_squeeze %dma_start3A_21 : memref<1x40x128xi32, #tpu.memory_space<hbm>> -> memref<40x128xi32, #tpu.memory_space<hbm>>
      tpu.enqueue_dma source(%dma_start3A_22 : memref<40x128xi32, #tpu.memory_space<hbm>>) target(%arg6 : memref<40x128xi32, #tpu.memory_space<vmem>>) target_semaphore(%run_scoped3A : memref<!tpu.dma_semaphore, #tpu.memory_space<semaphore_mem>>)
      %dma_wait3A = arith.constant 0 : i32
      %dma_wait3A_23 = arith.constant 0 : i32
      %dma_wait3A_24 = tpu.memref_slice %arg2[%add3A, %dma_wait3A, %dma_wait3A_23] : memref<32x40x128xi32, #tpu.memory_space<hbm>> -> memref<1x40x128xi32, #tpu.memory_space<hbm>>
      %dma_wait3A_25 = tpu.memref_squeeze %dma_wait3A_24 : memref<1x40x128xi32, #tpu.memory_space<hbm>> -> memref<40x128xi32, #tpu.memory_space<hbm>>
      %dma_wait3A_26 = arith.constant 0 : i32
      %dma_wait3A_27 = arith.constant 0 : i32
      %dma_wait3A_28 = tpu.memref_slice %arg2[%add3A, %dma_wait3A_26, %dma_wait3A_27] : memref<32x40x128xi32, #tpu.memory_space<hbm>> -> memref<1x40x128xi32, #tpu.memory_space<hbm>>
      %dma_wait3A_29 = tpu.memref_squeeze %dma_wait3A_28 : memref<1x40x128xi32, #tpu.memory_space<hbm>> -> memref<40x128xi32, #tpu.memory_space<hbm>>
      tpu.wait_dma2 semaphore(%run_scoped3A : memref<!tpu.dma_semaphore, #tpu.memory_space<semaphore_mem>>) src(%dma_wait3A_29 : memref<40x128xi32, #tpu.memory_space<hbm>>) dst(%arg6 : memref<40x128xi32, #tpu.memory_space<vmem>>)
      tpu.yield
    }) : () -> ()
    %mul3A_1 = arith.constant 632 : i32
    %mul3A_2 = arith.muli %arg1, %mul3A_1 : i32
    "tpu.region"() ({
      %run_scoped3A = tpu.sem_alloc : memref<!tpu.dma_semaphore, #tpu.memory_space<semaphore_mem>>
      %dma_start3A = arith.constant 0 : i32
      %dma_start3A_16 = tpu.memref_slice %arg8[%mul3A_2, %dma_start3A] : memref<10112x128xf32, #tpu.memory_space<vmem_shared>> -> memref<632x128xf32, #tpu.memory_space<vmem_shared>>
      tpu.enqueue_dma source(%arg3 : memref<632x128xf32, #tpu.memory_space<hbm>>) target(%dma_start3A_16 : memref<632x128xf32, #tpu.memory_space<vmem_shared>>) target_semaphore(%run_scoped3A : memref<!tpu.dma_semaphore, #tpu.memory_space<semaphore_mem>>)
      %dma_wait3A = arith.constant 0 : i32
      %dma_wait3A_17 = tpu.memref_slice %arg8[%mul3A_2, %dma_wait3A] : memref<10112x128xf32, #tpu.memory_space<vmem_shared>> -> memref<632x128xf32, #tpu.memory_space<vmem_shared>>
      tpu.wait_dma2 semaphore(%run_scoped3A : memref<!tpu.dma_semaphore, #tpu.memory_space<semaphore_mem>>) src(%arg3 : memref<632x128xf32, #tpu.memory_space<hbm>>) dst(%dma_wait3A_17 : memref<632x128xf32, #tpu.memory_space<vmem_shared>>)
      tpu.yield
    }) : () -> ()
    %barrier3A = arith.constant 0 : index
    tpu.barrier barrier_id(%barrier3A)
    %scan3A = arith.constant 0 : i32
    %scan3A_3 = arith.constant 0 : i32
    %scan3A_4 = arith.constant 20 : i32
    %scan3A_5 = arith.addi %scan3A_3, %scan3A_4 : i32
    %scan3A_6 = arith.constant 1 : i32
    scf.for %scan3A_16 = %scan3A_3 to %scan3A_5 step %scan3A_6  : i32 {
      %mul3A_17 = arith.constant 2 : i32
      %mul3A_18 = arith.muli %mul3A_17, %scan3A_16 : i32
      %add3A_19 = arith.constant 0 : i32
      %add3A_20 = arith.addi %mul3A_18, %add3A_19 : i32
      %dma_start3A = arith.constant 0 : i32
      %dma_start3A_21 = tpu.memref_slice %arg6[%add3A_20, %dma_start3A] : memref<40x128xi32, #tpu.memory_space<vmem>> -> memref<1x128xi32, #tpu.memory_space<vmem>>
      %dma_start3A_22 = tpu.memref_squeeze %dma_start3A_21 : memref<1x128xi32, #tpu.memory_space<vmem>> -> memref<128xi32, #tpu.memory_space<vmem>>
      %dma_start3A_23 = arith.constant 0 : i32
      %dma_start3A_24 = arith.constant 0 : i32
      %dma_start3A_25 = tpu.memref_slice %arg8[%dma_start3A_23, %dma_start3A_24] : memref<10112x128xf32, #tpu.memory_space<vmem_shared>> -> memref<10112x128xf32, #tpu.memory_space<vmem_shared>>
      tpu.enqueue_indirect_dma source(%arg7 : memref<128x128xf32, #tpu.memory_space<vmem>>) target(%dma_start3A_25 : memref<10112x128xf32, #tpu.memory_space<vmem_shared>>) offsets(%dma_start3A_22 : memref<128xi32, #tpu.memory_space<vmem>>) semaphore(%arg9 : memref<!tpu.dma_semaphore, #tpu.memory_space<semaphore_mem>>) {add = true}
      %mul3A_26 = arith.constant 2 : i32
      %mul3A_27 = arith.muli %mul3A_26, %scan3A_16 : i32
      %add3A_28 = arith.constant 1 : i32
      %add3A_29 = arith.addi %mul3A_27, %add3A_28 : i32
      %dma_start3A_30 = arith.constant 0 : i32
      %dma_start3A_31 = tpu.memref_slice %arg6[%add3A_29, %dma_start3A_30] : memref<40x128xi32, #tpu.memory_space<vmem>> -> memref<1x128xi32, #tpu.memory_space<vmem>>
      %dma_start3A_32 = tpu.memref_squeeze %dma_start3A_31 : memref<1x128xi32, #tpu.memory_space<vmem>> -> memref<128xi32, #tpu.memory_space<vmem>>
      %dma_start3A_33 = arith.constant 0 : i32
      %dma_start3A_34 = arith.constant 0 : i32
      %dma_start3A_35 = tpu.memref_slice %arg8[%dma_start3A_33, %dma_start3A_34] : memref<10112x128xf32, #tpu.memory_space<vmem_shared>> -> memref<10112x128xf32, #tpu.memory_space<vmem_shared>>
      tpu.enqueue_indirect_dma source(%arg7 : memref<128x128xf32, #tpu.memory_space<vmem>>) target(%dma_start3A_35 : memref<10112x128xf32, #tpu.memory_space<vmem_shared>>) offsets(%dma_start3A_32 : memref<128xi32, #tpu.memory_space<vmem>>) semaphore(%arg9 : memref<!tpu.dma_semaphore, #tpu.memory_space<semaphore_mem>>) {add = true}
      %dma_wait3A = arith.constant 0 : i32
      %dma_wait3A_36 = tpu.memref_slice %arg6[%add3A_20, %dma_wait3A] : memref<40x128xi32, #tpu.memory_space<vmem>> -> memref<1x128xi32, #tpu.memory_space<vmem>>
      %dma_wait3A_37 = tpu.memref_squeeze %dma_wait3A_36 : memref<1x128xi32, #tpu.memory_space<vmem>> -> memref<128xi32, #tpu.memory_space<vmem>>
      %dma_wait3A_38 = arith.constant 0 : i32
      %dma_wait3A_39 = arith.constant 0 : i32
      %dma_wait3A_40 = tpu.memref_slice %arg8[%dma_wait3A_38, %dma_wait3A_39] : memref<10112x128xf32, #tpu.memory_space<vmem_shared>> -> memref<10112x128xf32, #tpu.memory_space<vmem_shared>>
      tpu.wait_indirect_dma semaphore(%arg9 : memref<!tpu.dma_semaphore, #tpu.memory_space<semaphore_mem>>) src(%arg7 : memref<128x128xf32, #tpu.memory_space<vmem>>) dst(%dma_wait3A_40 : memref<10112x128xf32, #tpu.memory_space<vmem_shared>>)
      %dma_wait3A_41 = arith.constant 0 : i32
      %dma_wait3A_42 = tpu.memref_slice %arg6[%add3A_29, %dma_wait3A_41] : memref<40x128xi32, #tpu.memory_space<vmem>> -> memref<1x128xi32, #tpu.memory_space<vmem>>
      %dma_wait3A_43 = tpu.memref_squeeze %dma_wait3A_42 : memref<1x128xi32, #tpu.memory_space<vmem>> -> memref<128xi32, #tpu.memory_space<vmem>>
      %dma_wait3A_44 = arith.constant 0 : i32
      %dma_wait3A_45 = arith.constant 0 : i32
      %dma_wait3A_46 = tpu.memref_slice %arg8[%dma_wait3A_44, %dma_wait3A_45] : memref<10112x128xf32, #tpu.memory_space<vmem_shared>> -> memref<10112x128xf32, #tpu.memory_space<vmem_shared>>
      tpu.wait_indirect_dma semaphore(%arg9 : memref<!tpu.dma_semaphore, #tpu.memory_space<semaphore_mem>>) src(%arg7 : memref<128x128xf32, #tpu.memory_space<vmem>>) dst(%dma_wait3A_46 : memref<10112x128xf32, #tpu.memory_space<vmem_shared>>)
    }
    %scan3A_7 = arith.constant 20 : i32
    %barrier3A_8 = arith.constant 0 : index
    tpu.barrier barrier_id(%barrier3A_8)
    %mul3A_9 = arith.constant 632 : i32
    %mul3A_10 = arith.muli %arg1, %mul3A_9 : i32
    %mul3A_11 = arith.constant 11000 : i32
    %mul3A_12 = arith.muli %arg0, %mul3A_11 : i32
    %mul3A_13 = arith.constant 632 : i32
    %mul3A_14 = arith.muli %arg1, %mul3A_13 : i32
    %add3A_15 = arith.addi %mul3A_12, %mul3A_14 : i32
    "tpu.region"() ({
      %run_scoped3A = tpu.sem_alloc : memref<!tpu.dma_semaphore, #tpu.memory_space<semaphore_mem>>
      %dma_start3A = arith.constant 0 : i32
      %dma_start3A_16 = tpu.memref_slice %arg5[%add3A_15, %dma_start3A] : memref<22000x128xf32, #tpu.memory_space<hbm>> -> memref<632x128xf32, #tpu.memory_space<hbm>>
      %dma_start3A_17 = arith.constant 0 : i32
      %dma_start3A_18 = tpu.memref_slice %arg8[%mul3A_10, %dma_start3A_17] : memref<10112x128xf32, #tpu.memory_space<vmem_shared>> -> memref<632x128xf32, #tpu.memory_space<vmem_shared>>
      tpu.enqueue_dma source(%dma_start3A_18 : memref<632x128xf32, #tpu.memory_space<vmem_shared>>) target(%dma_start3A_16 : memref<632x128xf32, #tpu.memory_space<hbm>>) target_semaphore(%run_scoped3A : memref<!tpu.dma_semaphore, #tpu.memory_space<semaphore_mem>>)
      %dma_wait3A = arith.constant 0 : i32
      %dma_wait3A_19 = tpu.memref_slice %arg5[%add3A_15, %dma_wait3A] : memref<22000x128xf32, #tpu.memory_space<hbm>> -> memref<632x128xf32, #tpu.memory_space<hbm>>
      %dma_wait3A_20 = arith.constant 0 : i32
      %dma_wait3A_21 = tpu.memref_slice %arg8[%mul3A_10, %dma_wait3A_20] : memref<10112x128xf32, #tpu.memory_space<vmem_shared>> -> memref<632x128xf32, #tpu.memory_space<vmem_shared>>
      tpu.wait_dma2 semaphore(%run_scoped3A : memref<!tpu.dma_semaphore, #tpu.memory_space<semaphore_mem>>) src(%dma_wait3A_21 : memref<632x128xf32, #tpu.memory_space<vmem_shared>>) dst(%dma_wait3A_19 : memref<632x128xf32, #tpu.memory_space<hbm>>)
      tpu.yield
    }) : () -> ()
    return
  }
}

#map = affine_map<(d0, d1) -> (0, 0)>
#map1 = affine_map<(d0, d1) -> (0, 0, 0)>
module attributes {stable_mosaic.version = 14 : i64} {
  func.func @agg(%arg0: i32, %arg1: i32, %arg2: memref<22000x128xf32, #tpu.memory_space<hbm>>, %arg3: memref<32x80x128xi32, #tpu.memory_space<hbm>>, %arg4: memref<16x80x128xi32, #tpu.memory_space<hbm>>, %arg5: memref<632x128xf32, #tpu.memory_space<hbm>>, %arg6: memref<22000x128xf32, #tpu.memory_space<hbm>>, %arg7: memref<40x128xi32, #tpu.memory_space<vmem>>, %arg8: memref<40x128xi32, #tpu.memory_space<vmem>>, %arg9: memref<2x128x128xf32, #tpu.memory_space<vmem>>, %arg10: memref<10112x128xf32, #tpu.memory_space<vmem_shared>>, %arg11: memref<!tpu.dma_semaphore, #tpu.memory_space<semaphore_mem>>, %arg12: memref<!tpu.dma_semaphore, #tpu.memory_space<semaphore_mem>>) attributes {dimension_semantics = [#tpu.dimension_semantics<core_parallel>, #tpu.dimension_semantics<subcore_parallel>], iteration_bounds = array<i64: 2, 16>, scalar_prefetch = 0 : i64, scratch_operands = 6 : i64, tpu.core_type = #tpu.core_type<sc_vector_subcore>, window_params = [{transform_indices = #map}, {transform_indices = #map1}, {transform_indices = #map1}, {transform_indices = #map}, {transform_indices = #map}]} {
    %mul3A = arith.constant 632 : i32
    %mul3A_0 = arith.muli %arg1, %mul3A : i32
    "tpu.region"() ({
      %run_scoped3A = tpu.sem_alloc : memref<!tpu.dma_semaphore, #tpu.memory_space<semaphore_mem>>
      %dma_start3A = arith.constant 0 : i32
      %dma_start3A_25 = tpu.memref_slice %arg10[%mul3A_0, %dma_start3A] : memref<10112x128xf32, #tpu.memory_space<vmem_shared>> -> memref<632x128xf32, #tpu.memory_space<vmem_shared>>
      tpu.enqueue_dma source(%arg5 : memref<632x128xf32, #tpu.memory_space<hbm>>) target(%dma_start3A_25 : memref<632x128xf32, #tpu.memory_space<vmem_shared>>) target_semaphore(%run_scoped3A : memref<!tpu.dma_semaphore, #tpu.memory_space<semaphore_mem>>)
      %dma_wait3A = arith.constant 0 : i32
      %dma_wait3A_26 = tpu.memref_slice %arg10[%mul3A_0, %dma_wait3A] : memref<10112x128xf32, #tpu.memory_space<vmem_shared>> -> memref<632x128xf32, #tpu.memory_space<vmem_shared>>
      tpu.wait_dma2 semaphore(%run_scoped3A : memref<!tpu.dma_semaphore, #tpu.memory_space<semaphore_mem>>) src(%arg5 : memref<632x128xf32, #tpu.memory_space<hbm>>) dst(%dma_wait3A_26 : memref<632x128xf32, #tpu.memory_space<vmem_shared>>)
      tpu.yield
    }) : () -> ()
    %barrier3A = arith.constant 0 : index
    tpu.barrier barrier_id(%barrier3A)
    %mul3A_1 = arith.constant 16 : i32
    %mul3A_2 = arith.muli %arg0, %mul3A_1 : i32
    %add3A = arith.addi %mul3A_2, %arg1 : i32
    "tpu.region"() ({
      %run_scoped3A = tpu.sem_alloc : memref<!tpu.dma_semaphore, #tpu.memory_space<semaphore_mem>>
      %dma_start3A = arith.constant 0 : i32
      %dma_start3A_25 = arith.constant 0 : i32
      %dma_start3A_26 = tpu.memref_slice %arg3[%add3A, %dma_start3A, %dma_start3A_25] : memref<32x80x128xi32, #tpu.memory_space<hbm>> -> memref<1x40x128xi32, #tpu.memory_space<hbm>>
      %dma_start3A_27 = tpu.memref_squeeze %dma_start3A_26 : memref<1x40x128xi32, #tpu.memory_space<hbm>> -> memref<40x128xi32, #tpu.memory_space<hbm>>
      %dma_start3A_28 = arith.constant 0 : i32
      %dma_start3A_29 = arith.constant 0 : i32
      %dma_start3A_30 = tpu.memref_slice %arg3[%add3A, %dma_start3A_28, %dma_start3A_29] : memref<32x80x128xi32, #tpu.memory_space<hbm>> -> memref<1x40x128xi32, #tpu.memory_space<hbm>>
      %dma_start3A_31 = tpu.memref_squeeze %dma_start3A_30 : memref<1x40x128xi32, #tpu.memory_space<hbm>> -> memref<40x128xi32, #tpu.memory_space<hbm>>
      tpu.enqueue_dma source(%dma_start3A_31 : memref<40x128xi32, #tpu.memory_space<hbm>>) target(%arg7 : memref<40x128xi32, #tpu.memory_space<vmem>>) target_semaphore(%run_scoped3A : memref<!tpu.dma_semaphore, #tpu.memory_space<semaphore_mem>>)
      %dma_wait3A = arith.constant 0 : i32
      %dma_wait3A_32 = arith.constant 0 : i32
      %dma_wait3A_33 = tpu.memref_slice %arg3[%add3A, %dma_wait3A, %dma_wait3A_32] : memref<32x80x128xi32, #tpu.memory_space<hbm>> -> memref<1x40x128xi32, #tpu.memory_space<hbm>>
      %dma_wait3A_34 = tpu.memref_squeeze %dma_wait3A_33 : memref<1x40x128xi32, #tpu.memory_space<hbm>> -> memref<40x128xi32, #tpu.memory_space<hbm>>
      %dma_wait3A_35 = arith.constant 0 : i32
      %dma_wait3A_36 = arith.constant 0 : i32
      %dma_wait3A_37 = tpu.memref_slice %arg3[%add3A, %dma_wait3A_35, %dma_wait3A_36] : memref<32x80x128xi32, #tpu.memory_space<hbm>> -> memref<1x40x128xi32, #tpu.memory_space<hbm>>
      %dma_wait3A_38 = tpu.memref_squeeze %dma_wait3A_37 : memref<1x40x128xi32, #tpu.memory_space<hbm>> -> memref<40x128xi32, #tpu.memory_space<hbm>>
      tpu.wait_dma2 semaphore(%run_scoped3A : memref<!tpu.dma_semaphore, #tpu.memory_space<semaphore_mem>>) src(%dma_wait3A_38 : memref<40x128xi32, #tpu.memory_space<hbm>>) dst(%arg7 : memref<40x128xi32, #tpu.memory_space<vmem>>)
      tpu.yield
    }) : () -> ()
    "tpu.region"() ({
      %run_scoped3A = tpu.sem_alloc : memref<!tpu.dma_semaphore, #tpu.memory_space<semaphore_mem>>
      %dma_start3A = arith.constant 0 : i32
      %dma_start3A_25 = arith.constant 0 : i32
      %dma_start3A_26 = tpu.memref_slice %arg4[%arg1, %dma_start3A, %dma_start3A_25] : memref<16x80x128xi32, #tpu.memory_space<hbm>> -> memref<1x40x128xi32, #tpu.memory_space<hbm>>
      %dma_start3A_27 = tpu.memref_squeeze %dma_start3A_26 : memref<1x40x128xi32, #tpu.memory_space<hbm>> -> memref<40x128xi32, #tpu.memory_space<hbm>>
      %dma_start3A_28 = arith.constant 0 : i32
      %dma_start3A_29 = arith.constant 0 : i32
      %dma_start3A_30 = tpu.memref_slice %arg4[%arg1, %dma_start3A_28, %dma_start3A_29] : memref<16x80x128xi32, #tpu.memory_space<hbm>> -> memref<1x40x128xi32, #tpu.memory_space<hbm>>
      %dma_start3A_31 = tpu.memref_squeeze %dma_start3A_30 : memref<1x40x128xi32, #tpu.memory_space<hbm>> -> memref<40x128xi32, #tpu.memory_space<hbm>>
      tpu.enqueue_dma source(%dma_start3A_31 : memref<40x128xi32, #tpu.memory_space<hbm>>) target(%arg8 : memref<40x128xi32, #tpu.memory_space<vmem>>) target_semaphore(%run_scoped3A : memref<!tpu.dma_semaphore, #tpu.memory_space<semaphore_mem>>)
      %dma_wait3A = arith.constant 0 : i32
      %dma_wait3A_32 = arith.constant 0 : i32
      %dma_wait3A_33 = tpu.memref_slice %arg4[%arg1, %dma_wait3A, %dma_wait3A_32] : memref<16x80x128xi32, #tpu.memory_space<hbm>> -> memref<1x40x128xi32, #tpu.memory_space<hbm>>
      %dma_wait3A_34 = tpu.memref_squeeze %dma_wait3A_33 : memref<1x40x128xi32, #tpu.memory_space<hbm>> -> memref<40x128xi32, #tpu.memory_space<hbm>>
      %dma_wait3A_35 = arith.constant 0 : i32
      %dma_wait3A_36 = arith.constant 0 : i32
      %dma_wait3A_37 = tpu.memref_slice %arg4[%arg1, %dma_wait3A_35, %dma_wait3A_36] : memref<16x80x128xi32, #tpu.memory_space<hbm>> -> memref<1x40x128xi32, #tpu.memory_space<hbm>>
      %dma_wait3A_38 = tpu.memref_squeeze %dma_wait3A_37 : memref<1x40x128xi32, #tpu.memory_space<hbm>> -> memref<40x128xi32, #tpu.memory_space<hbm>>
      tpu.wait_dma2 semaphore(%run_scoped3A : memref<!tpu.dma_semaphore, #tpu.memory_space<semaphore_mem>>) src(%dma_wait3A_38 : memref<40x128xi32, #tpu.memory_space<hbm>>) dst(%arg8 : memref<40x128xi32, #tpu.memory_space<vmem>>)
      tpu.yield
    }) : () -> ()
    %scan3A = arith.constant 0 : i32
    %scan3A_3 = arith.constant 0 : i32
    %scan3A_4 = arith.constant 20 : i32
    %scan3A_5 = arith.addi %scan3A_3, %scan3A_4 : i32
    %scan3A_6 = arith.constant 1 : i32
    scf.for %scan3A_25 = %scan3A_3 to %scan3A_5 step %scan3A_6  : i32 {
      %mul3A_26 = arith.constant 2 : i32
      %mul3A_27 = arith.muli %scan3A_25, %mul3A_26 : i32
      %add3A_28 = arith.constant 0 : i32
      %add3A_29 = arith.addi %mul3A_27, %add3A_28 : i32
      %dma_start3A = arith.constant 0 : i32
      %dma_start3A_30 = arith.constant 0 : i32
      %dma_start3A_31 = arith.constant 0 : i32
      %dma_start3A_32 = tpu.memref_slice %arg9[%dma_start3A, %dma_start3A_30, %dma_start3A_31] : memref<2x128x128xf32, #tpu.memory_space<vmem>> -> memref<1x128x128xf32, #tpu.memory_space<vmem>>
      %dma_start3A_33 = tpu.memref_squeeze %dma_start3A_32 : memref<1x128x128xf32, #tpu.memory_space<vmem>> -> memref<128x128xf32, #tpu.memory_space<vmem>>
      %dma_start3A_34 = arith.constant 0 : i32
      %dma_start3A_35 = tpu.memref_slice %arg7[%add3A_29, %dma_start3A_34] : memref<40x128xi32, #tpu.memory_space<vmem>> -> memref<1x128xi32, #tpu.memory_space<vmem>>
      %dma_start3A_36 = tpu.memref_squeeze %dma_start3A_35 : memref<1x128xi32, #tpu.memory_space<vmem>> -> memref<128xi32, #tpu.memory_space<vmem>>
      %dma_start3A_37 = arith.constant 0 : i32
      %dma_start3A_38 = arith.constant 0 : i32
      %dma_start3A_39 = tpu.memref_slice %arg2[%dma_start3A_37, %dma_start3A_38] : memref<22000x128xf32, #tpu.memory_space<hbm>> -> memref<22000x128xf32, #tpu.memory_space<hbm>>
      tpu.enqueue_indirect_dma source(%dma_start3A_39 : memref<22000x128xf32, #tpu.memory_space<hbm>>) target(%dma_start3A_33 : memref<128x128xf32, #tpu.memory_space<vmem>>) offsets(%dma_start3A_36 : memref<128xi32, #tpu.memory_space<vmem>>) semaphore(%arg11 : memref<!tpu.dma_semaphore, #tpu.memory_space<semaphore_mem>>)
      %mul3A_40 = arith.constant 2 : i32
      %mul3A_41 = arith.muli %scan3A_25, %mul3A_40 : i32
      %add3A_42 = arith.constant 1 : i32
      %add3A_43 = arith.addi %mul3A_41, %add3A_42 : i32
      %dma_start3A_44 = arith.constant 1 : i32
      %dma_start3A_45 = arith.constant 0 : i32
      %dma_start3A_46 = arith.constant 0 : i32
      %dma_start3A_47 = tpu.memref_slice %arg9[%dma_start3A_44, %dma_start3A_45, %dma_start3A_46] : memref<2x128x128xf32, #tpu.memory_space<vmem>> -> memref<1x128x128xf32, #tpu.memory_space<vmem>>
      %dma_start3A_48 = tpu.memref_squeeze %dma_start3A_47 : memref<1x128x128xf32, #tpu.memory_space<vmem>> -> memref<128x128xf32, #tpu.memory_space<vmem>>
      %dma_start3A_49 = arith.constant 0 : i32
      %dma_start3A_50 = tpu.memref_slice %arg7[%add3A_43, %dma_start3A_49] : memref<40x128xi32, #tpu.memory_space<vmem>> -> memref<1x128xi32, #tpu.memory_space<vmem>>
      %dma_start3A_51 = tpu.memref_squeeze %dma_start3A_50 : memref<1x128xi32, #tpu.memory_space<vmem>> -> memref<128xi32, #tpu.memory_space<vmem>>
      %dma_start3A_52 = arith.constant 0 : i32
      %dma_start3A_53 = arith.constant 0 : i32
      %dma_start3A_54 = tpu.memref_slice %arg2[%dma_start3A_52, %dma_start3A_53] : memref<22000x128xf32, #tpu.memory_space<hbm>> -> memref<22000x128xf32, #tpu.memory_space<hbm>>
      tpu.enqueue_indirect_dma source(%dma_start3A_54 : memref<22000x128xf32, #tpu.memory_space<hbm>>) target(%dma_start3A_48 : memref<128x128xf32, #tpu.memory_space<vmem>>) offsets(%dma_start3A_51 : memref<128xi32, #tpu.memory_space<vmem>>) semaphore(%arg11 : memref<!tpu.dma_semaphore, #tpu.memory_space<semaphore_mem>>)
      %dma_wait3A = arith.constant 0 : i32
      %dma_wait3A_55 = arith.constant 0 : i32
      %dma_wait3A_56 = arith.constant 0 : i32
      %dma_wait3A_57 = tpu.memref_slice %arg9[%dma_wait3A, %dma_wait3A_55, %dma_wait3A_56] : memref<2x128x128xf32, #tpu.memory_space<vmem>> -> memref<1x128x128xf32, #tpu.memory_space<vmem>>
      %dma_wait3A_58 = tpu.memref_squeeze %dma_wait3A_57 : memref<1x128x128xf32, #tpu.memory_space<vmem>> -> memref<128x128xf32, #tpu.memory_space<vmem>>
      %dma_wait3A_59 = arith.constant 0 : i32
      %dma_wait3A_60 = tpu.memref_slice %arg7[%add3A_29, %dma_wait3A_59] : memref<40x128xi32, #tpu.memory_space<vmem>> -> memref<1x128xi32, #tpu.memory_space<vmem>>
      %dma_wait3A_61 = tpu.memref_squeeze %dma_wait3A_60 : memref<1x128xi32, #tpu.memory_space<vmem>> -> memref<128xi32, #tpu.memory_space<vmem>>
      %dma_wait3A_62 = arith.constant 0 : i32
      %dma_wait3A_63 = arith.constant 0 : i32
      %dma_wait3A_64 = tpu.memref_slice %arg2[%dma_wait3A_62, %dma_wait3A_63] : memref<22000x128xf32, #tpu.memory_space<hbm>> -> memref<22000x128xf32, #tpu.memory_space<hbm>>
      tpu.wait_indirect_dma semaphore(%arg11 : memref<!tpu.dma_semaphore, #tpu.memory_space<semaphore_mem>>) src(%dma_wait3A_64 : memref<22000x128xf32, #tpu.memory_space<hbm>>) dst(%dma_wait3A_58 : memref<128x128xf32, #tpu.memory_space<vmem>>)
      %mul3A_65 = arith.constant 2 : i32
      %mul3A_66 = arith.muli %scan3A_25, %mul3A_65 : i32
      %add3A_67 = arith.constant 0 : i32
      %add3A_68 = arith.addi %mul3A_66, %add3A_67 : i32
      %dma_start3A_69 = arith.constant 0 : i32
      %dma_start3A_70 = arith.constant 0 : i32
      %dma_start3A_71 = arith.constant 0 : i32
      %dma_start3A_72 = tpu.memref_slice %arg9[%dma_start3A_69, %dma_start3A_70, %dma_start3A_71] : memref<2x128x128xf32, #tpu.memory_space<vmem>> -> memref<1x128x128xf32, #tpu.memory_space<vmem>>
      %dma_start3A_73 = tpu.memref_squeeze %dma_start3A_72 : memref<1x128x128xf32, #tpu.memory_space<vmem>> -> memref<128x128xf32, #tpu.memory_space<vmem>>
      %dma_start3A_74 = arith.constant 0 : i32
      %dma_start3A_75 = tpu.memref_slice %arg8[%add3A_68, %dma_start3A_74] : memref<40x128xi32, #tpu.memory_space<vmem>> -> memref<1x128xi32, #tpu.memory_space<vmem>>
      %dma_start3A_76 = tpu.memref_squeeze %dma_start3A_75 : memref<1x128xi32, #tpu.memory_space<vmem>> -> memref<128xi32, #tpu.memory_space<vmem>>
      %dma_start3A_77 = arith.constant 0 : i32
      %dma_start3A_78 = arith.constant 0 : i32
      %dma_start3A_79 = tpu.memref_slice %arg10[%dma_start3A_77, %dma_start3A_78] : memref<10112x128xf32, #tpu.memory_space<vmem_shared>> -> memref<10112x128xf32, #tpu.memory_space<vmem_shared>>
      tpu.enqueue_indirect_dma source(%dma_start3A_73 : memref<128x128xf32, #tpu.memory_space<vmem>>) target(%dma_start3A_79 : memref<10112x128xf32, #tpu.memory_space<vmem_shared>>) offsets(%dma_start3A_76 : memref<128xi32, #tpu.memory_space<vmem>>) semaphore(%arg12 : memref<!tpu.dma_semaphore, #tpu.memory_space<semaphore_mem>>) {add = true}
      %dma_wait3A_80 = arith.constant 1 : i32
      %dma_wait3A_81 = arith.constant 0 : i32
      %dma_wait3A_82 = arith.constant 0 : i32
      %dma_wait3A_83 = tpu.memref_slice %arg9[%dma_wait3A_80, %dma_wait3A_81, %dma_wait3A_82] : memref<2x128x128xf32, #tpu.memory_space<vmem>> -> memref<1x128x128xf32, #tpu.memory_space<vmem>>
      %dma_wait3A_84 = tpu.memref_squeeze %dma_wait3A_83 : memref<1x128x128xf32, #tpu.memory_space<vmem>> -> memref<128x128xf32, #tpu.memory_space<vmem>>
      %dma_wait3A_85 = arith.constant 0 : i32
      %dma_wait3A_86 = tpu.memref_slice %arg7[%add3A_43, %dma_wait3A_85] : memref<40x128xi32, #tpu.memory_space<vmem>> -> memref<1x128xi32, #tpu.memory_space<vmem>>
      %dma_wait3A_87 = tpu.memref_squeeze %dma_wait3A_86 : memref<1x128xi32, #tpu.memory_space<vmem>> -> memref<128xi32, #tpu.memory_space<vmem>>
      %dma_wait3A_88 = arith.constant 0 : i32
      %dma_wait3A_89 = arith.constant 0 : i32
      %dma_wait3A_90 = tpu.memref_slice %arg2[%dma_wait3A_88, %dma_wait3A_89] : memref<22000x128xf32, #tpu.memory_space<hbm>> -> memref<22000x128xf32, #tpu.memory_space<hbm>>
      tpu.wait_indirect_dma semaphore(%arg11 : memref<!tpu.dma_semaphore, #tpu.memory_space<semaphore_mem>>) src(%dma_wait3A_90 : memref<22000x128xf32, #tpu.memory_space<hbm>>) dst(%dma_wait3A_84 : memref<128x128xf32, #tpu.memory_space<vmem>>)
      %mul3A_91 = arith.constant 2 : i32
      %mul3A_92 = arith.muli %scan3A_25, %mul3A_91 : i32
      %add3A_93 = arith.constant 1 : i32
      %add3A_94 = arith.addi %mul3A_92, %add3A_93 : i32
      %dma_start3A_95 = arith.constant 1 : i32
      %dma_start3A_96 = arith.constant 0 : i32
      %dma_start3A_97 = arith.constant 0 : i32
      %dma_start3A_98 = tpu.memref_slice %arg9[%dma_start3A_95, %dma_start3A_96, %dma_start3A_97] : memref<2x128x128xf32, #tpu.memory_space<vmem>> -> memref<1x128x128xf32, #tpu.memory_space<vmem>>
      %dma_start3A_99 = tpu.memref_squeeze %dma_start3A_98 : memref<1x128x128xf32, #tpu.memory_space<vmem>> -> memref<128x128xf32, #tpu.memory_space<vmem>>
      %dma_start3A_100 = arith.constant 0 : i32
      %dma_start3A_101 = tpu.memref_slice %arg8[%add3A_94, %dma_start3A_100] : memref<40x128xi32, #tpu.memory_space<vmem>> -> memref<1x128xi32, #tpu.memory_space<vmem>>
      %dma_start3A_102 = tpu.memref_squeeze %dma_start3A_101 : memref<1x128xi32, #tpu.memory_space<vmem>> -> memref<128xi32, #tpu.memory_space<vmem>>
      %dma_start3A_103 = arith.constant 0 : i32
      %dma_start3A_104 = arith.constant 0 : i32
      %dma_start3A_105 = tpu.memref_slice %arg10[%dma_start3A_103, %dma_start3A_104] : memref<10112x128xf32, #tpu.memory_space<vmem_shared>> -> memref<10112x128xf32, #tpu.memory_space<vmem_shared>>
      tpu.enqueue_indirect_dma source(%dma_start3A_99 : memref<128x128xf32, #tpu.memory_space<vmem>>) target(%dma_start3A_105 : memref<10112x128xf32, #tpu.memory_space<vmem_shared>>) offsets(%dma_start3A_102 : memref<128xi32, #tpu.memory_space<vmem>>) semaphore(%arg12 : memref<!tpu.dma_semaphore, #tpu.memory_space<semaphore_mem>>) {add = true}
      %dma_wait3A_106 = arith.constant 0 : i32
      %dma_wait3A_107 = arith.constant 0 : i32
      %dma_wait3A_108 = arith.constant 0 : i32
      %dma_wait3A_109 = tpu.memref_slice %arg9[%dma_wait3A_106, %dma_wait3A_107, %dma_wait3A_108] : memref<2x128x128xf32, #tpu.memory_space<vmem>> -> memref<1x128x128xf32, #tpu.memory_space<vmem>>
      %dma_wait3A_110 = tpu.memref_squeeze %dma_wait3A_109 : memref<1x128x128xf32, #tpu.memory_space<vmem>> -> memref<128x128xf32, #tpu.memory_space<vmem>>
      %dma_wait3A_111 = arith.constant 0 : i32
      %dma_wait3A_112 = tpu.memref_slice %arg8[%add3A_68, %dma_wait3A_111] : memref<40x128xi32, #tpu.memory_space<vmem>> -> memref<1x128xi32, #tpu.memory_space<vmem>>
      %dma_wait3A_113 = tpu.memref_squeeze %dma_wait3A_112 : memref<1x128xi32, #tpu.memory_space<vmem>> -> memref<128xi32, #tpu.memory_space<vmem>>
      %dma_wait3A_114 = arith.constant 0 : i32
      %dma_wait3A_115 = arith.constant 0 : i32
      %dma_wait3A_116 = tpu.memref_slice %arg10[%dma_wait3A_114, %dma_wait3A_115] : memref<10112x128xf32, #tpu.memory_space<vmem_shared>> -> memref<10112x128xf32, #tpu.memory_space<vmem_shared>>
      tpu.wait_indirect_dma semaphore(%arg12 : memref<!tpu.dma_semaphore, #tpu.memory_space<semaphore_mem>>) src(%dma_wait3A_110 : memref<128x128xf32, #tpu.memory_space<vmem>>) dst(%dma_wait3A_116 : memref<10112x128xf32, #tpu.memory_space<vmem_shared>>)
      %dma_wait3A_117 = arith.constant 1 : i32
      %dma_wait3A_118 = arith.constant 0 : i32
      %dma_wait3A_119 = arith.constant 0 : i32
      %dma_wait3A_120 = tpu.memref_slice %arg9[%dma_wait3A_117, %dma_wait3A_118, %dma_wait3A_119] : memref<2x128x128xf32, #tpu.memory_space<vmem>> -> memref<1x128x128xf32, #tpu.memory_space<vmem>>
      %dma_wait3A_121 = tpu.memref_squeeze %dma_wait3A_120 : memref<1x128x128xf32, #tpu.memory_space<vmem>> -> memref<128x128xf32, #tpu.memory_space<vmem>>
      %dma_wait3A_122 = arith.constant 0 : i32
      %dma_wait3A_123 = tpu.memref_slice %arg8[%add3A_94, %dma_wait3A_122] : memref<40x128xi32, #tpu.memory_space<vmem>> -> memref<1x128xi32, #tpu.memory_space<vmem>>
      %dma_wait3A_124 = tpu.memref_squeeze %dma_wait3A_123 : memref<1x128xi32, #tpu.memory_space<vmem>> -> memref<128xi32, #tpu.memory_space<vmem>>
      %dma_wait3A_125 = arith.constant 0 : i32
      %dma_wait3A_126 = arith.constant 0 : i32
      %dma_wait3A_127 = tpu.memref_slice %arg10[%dma_wait3A_125, %dma_wait3A_126] : memref<10112x128xf32, #tpu.memory_space<vmem_shared>> -> memref<10112x128xf32, #tpu.memory_space<vmem_shared>>
      tpu.wait_indirect_dma semaphore(%arg12 : memref<!tpu.dma_semaphore, #tpu.memory_space<semaphore_mem>>) src(%dma_wait3A_121 : memref<128x128xf32, #tpu.memory_space<vmem>>) dst(%dma_wait3A_127 : memref<10112x128xf32, #tpu.memory_space<vmem_shared>>)
    }
    %scan3A_7 = arith.constant 20 : i32
    %mul3A_8 = arith.constant 16 : i32
    %mul3A_9 = arith.muli %arg0, %mul3A_8 : i32
    %add3A_10 = arith.addi %mul3A_9, %arg1 : i32
    "tpu.region"() ({
      %run_scoped3A = tpu.sem_alloc : memref<!tpu.dma_semaphore, #tpu.memory_space<semaphore_mem>>
      %dma_start3A = arith.constant 40 : i32
      %dma_start3A_25 = arith.constant 0 : i32
      %dma_start3A_26 = tpu.memref_slice %arg3[%add3A_10, %dma_start3A, %dma_start3A_25] : memref<32x80x128xi32, #tpu.memory_space<hbm>> -> memref<1x40x128xi32, #tpu.memory_space<hbm>>
      %dma_start3A_27 = tpu.memref_squeeze %dma_start3A_26 : memref<1x40x128xi32, #tpu.memory_space<hbm>> -> memref<40x128xi32, #tpu.memory_space<hbm>>
      %dma_start3A_28 = arith.constant 40 : i32
      %dma_start3A_29 = arith.constant 0 : i32
      %dma_start3A_30 = tpu.memref_slice %arg3[%add3A_10, %dma_start3A_28, %dma_start3A_29] : memref<32x80x128xi32, #tpu.memory_space<hbm>> -> memref<1x40x128xi32, #tpu.memory_space<hbm>>
      %dma_start3A_31 = tpu.memref_squeeze %dma_start3A_30 : memref<1x40x128xi32, #tpu.memory_space<hbm>> -> memref<40x128xi32, #tpu.memory_space<hbm>>
      tpu.enqueue_dma source(%dma_start3A_31 : memref<40x128xi32, #tpu.memory_space<hbm>>) target(%arg7 : memref<40x128xi32, #tpu.memory_space<vmem>>) target_semaphore(%run_scoped3A : memref<!tpu.dma_semaphore, #tpu.memory_space<semaphore_mem>>)
      %dma_wait3A = arith.constant 40 : i32
      %dma_wait3A_32 = arith.constant 0 : i32
      %dma_wait3A_33 = tpu.memref_slice %arg3[%add3A_10, %dma_wait3A, %dma_wait3A_32] : memref<32x80x128xi32, #tpu.memory_space<hbm>> -> memref<1x40x128xi32, #tpu.memory_space<hbm>>
      %dma_wait3A_34 = tpu.memref_squeeze %dma_wait3A_33 : memref<1x40x128xi32, #tpu.memory_space<hbm>> -> memref<40x128xi32, #tpu.memory_space<hbm>>
      %dma_wait3A_35 = arith.constant 40 : i32
      %dma_wait3A_36 = arith.constant 0 : i32
      %dma_wait3A_37 = tpu.memref_slice %arg3[%add3A_10, %dma_wait3A_35, %dma_wait3A_36] : memref<32x80x128xi32, #tpu.memory_space<hbm>> -> memref<1x40x128xi32, #tpu.memory_space<hbm>>
      %dma_wait3A_38 = tpu.memref_squeeze %dma_wait3A_37 : memref<1x40x128xi32, #tpu.memory_space<hbm>> -> memref<40x128xi32, #tpu.memory_space<hbm>>
      tpu.wait_dma2 semaphore(%run_scoped3A : memref<!tpu.dma_semaphore, #tpu.memory_space<semaphore_mem>>) src(%dma_wait3A_38 : memref<40x128xi32, #tpu.memory_space<hbm>>) dst(%arg7 : memref<40x128xi32, #tpu.memory_space<vmem>>)
      tpu.yield
    }) : () -> ()
    "tpu.region"() ({
      %run_scoped3A = tpu.sem_alloc : memref<!tpu.dma_semaphore, #tpu.memory_space<semaphore_mem>>
      %dma_start3A = arith.constant 40 : i32
      %dma_start3A_25 = arith.constant 0 : i32
      %dma_start3A_26 = tpu.memref_slice %arg4[%arg1, %dma_start3A, %dma_start3A_25] : memref<16x80x128xi32, #tpu.memory_space<hbm>> -> memref<1x40x128xi32, #tpu.memory_space<hbm>>
      %dma_start3A_27 = tpu.memref_squeeze %dma_start3A_26 : memref<1x40x128xi32, #tpu.memory_space<hbm>> -> memref<40x128xi32, #tpu.memory_space<hbm>>
      %dma_start3A_28 = arith.constant 40 : i32
      %dma_start3A_29 = arith.constant 0 : i32
      %dma_start3A_30 = tpu.memref_slice %arg4[%arg1, %dma_start3A_28, %dma_start3A_29] : memref<16x80x128xi32, #tpu.memory_space<hbm>> -> memref<1x40x128xi32, #tpu.memory_space<hbm>>
      %dma_start3A_31 = tpu.memref_squeeze %dma_start3A_30 : memref<1x40x128xi32, #tpu.memory_space<hbm>> -> memref<40x128xi32, #tpu.memory_space<hbm>>
      tpu.enqueue_dma source(%dma_start3A_31 : memref<40x128xi32, #tpu.memory_space<hbm>>) target(%arg8 : memref<40x128xi32, #tpu.memory_space<vmem>>) target_semaphore(%run_scoped3A : memref<!tpu.dma_semaphore, #tpu.memory_space<semaphore_mem>>)
      %dma_wait3A = arith.constant 40 : i32
      %dma_wait3A_32 = arith.constant 0 : i32
      %dma_wait3A_33 = tpu.memref_slice %arg4[%arg1, %dma_wait3A, %dma_wait3A_32] : memref<16x80x128xi32, #tpu.memory_space<hbm>> -> memref<1x40x128xi32, #tpu.memory_space<hbm>>
      %dma_wait3A_34 = tpu.memref_squeeze %dma_wait3A_33 : memref<1x40x128xi32, #tpu.memory_space<hbm>> -> memref<40x128xi32, #tpu.memory_space<hbm>>
      %dma_wait3A_35 = arith.constant 40 : i32
      %dma_wait3A_36 = arith.constant 0 : i32
      %dma_wait3A_37 = tpu.memref_slice %arg4[%arg1, %dma_wait3A_35, %dma_wait3A_36] : memref<16x80x128xi32, #tpu.memory_space<hbm>> -> memref<1x40x128xi32, #tpu.memory_space<hbm>>
      %dma_wait3A_38 = tpu.memref_squeeze %dma_wait3A_37 : memref<1x40x128xi32, #tpu.memory_space<hbm>> -> memref<40x128xi32, #tpu.memory_space<hbm>>
      tpu.wait_dma2 semaphore(%run_scoped3A : memref<!tpu.dma_semaphore, #tpu.memory_space<semaphore_mem>>) src(%dma_wait3A_38 : memref<40x128xi32, #tpu.memory_space<hbm>>) dst(%arg8 : memref<40x128xi32, #tpu.memory_space<vmem>>)
      tpu.yield
    }) : () -> ()
    %scan3A_11 = arith.constant 0 : i32
    %scan3A_12 = arith.constant 0 : i32
    %scan3A_13 = arith.constant 20 : i32
    %scan3A_14 = arith.addi %scan3A_12, %scan3A_13 : i32
    %scan3A_15 = arith.constant 1 : i32
    scf.for %scan3A_25 = %scan3A_12 to %scan3A_14 step %scan3A_15  : i32 {
      %mul3A_26 = arith.constant 2 : i32
      %mul3A_27 = arith.muli %scan3A_25, %mul3A_26 : i32
      %add3A_28 = arith.constant 0 : i32
      %add3A_29 = arith.addi %mul3A_27, %add3A_28 : i32
      %dma_start3A = arith.constant 0 : i32
      %dma_start3A_30 = arith.constant 0 : i32
      %dma_start3A_31 = arith.constant 0 : i32
      %dma_start3A_32 = tpu.memref_slice %arg9[%dma_start3A, %dma_start3A_30, %dma_start3A_31] : memref<2x128x128xf32, #tpu.memory_space<vmem>> -> memref<1x128x128xf32, #tpu.memory_space<vmem>>
      %dma_start3A_33 = tpu.memref_squeeze %dma_start3A_32 : memref<1x128x128xf32, #tpu.memory_space<vmem>> -> memref<128x128xf32, #tpu.memory_space<vmem>>
      %dma_start3A_34 = arith.constant 0 : i32
      %dma_start3A_35 = tpu.memref_slice %arg7[%add3A_29, %dma_start3A_34] : memref<40x128xi32, #tpu.memory_space<vmem>> -> memref<1x128xi32, #tpu.memory_space<vmem>>
      %dma_start3A_36 = tpu.memref_squeeze %dma_start3A_35 : memref<1x128xi32, #tpu.memory_space<vmem>> -> memref<128xi32, #tpu.memory_space<vmem>>
      %dma_start3A_37 = arith.constant 0 : i32
      %dma_start3A_38 = arith.constant 0 : i32
      %dma_start3A_39 = tpu.memref_slice %arg2[%dma_start3A_37, %dma_start3A_38] : memref<22000x128xf32, #tpu.memory_space<hbm>> -> memref<22000x128xf32, #tpu.memory_space<hbm>>
      tpu.enqueue_indirect_dma source(%dma_start3A_39 : memref<22000x128xf32, #tpu.memory_space<hbm>>) target(%dma_start3A_33 : memref<128x128xf32, #tpu.memory_space<vmem>>) offsets(%dma_start3A_36 : memref<128xi32, #tpu.memory_space<vmem>>) semaphore(%arg11 : memref<!tpu.dma_semaphore, #tpu.memory_space<semaphore_mem>>)
      %mul3A_40 = arith.constant 2 : i32
      %mul3A_41 = arith.muli %scan3A_25, %mul3A_40 : i32
      %add3A_42 = arith.constant 1 : i32
      %add3A_43 = arith.addi %mul3A_41, %add3A_42 : i32
      %dma_start3A_44 = arith.constant 1 : i32
      %dma_start3A_45 = arith.constant 0 : i32
      %dma_start3A_46 = arith.constant 0 : i32
      %dma_start3A_47 = tpu.memref_slice %arg9[%dma_start3A_44, %dma_start3A_45, %dma_start3A_46] : memref<2x128x128xf32, #tpu.memory_space<vmem>> -> memref<1x128x128xf32, #tpu.memory_space<vmem>>
      %dma_start3A_48 = tpu.memref_squeeze %dma_start3A_47 : memref<1x128x128xf32, #tpu.memory_space<vmem>> -> memref<128x128xf32, #tpu.memory_space<vmem>>
      %dma_start3A_49 = arith.constant 0 : i32
      %dma_start3A_50 = tpu.memref_slice %arg7[%add3A_43, %dma_start3A_49] : memref<40x128xi32, #tpu.memory_space<vmem>> -> memref<1x128xi32, #tpu.memory_space<vmem>>
      %dma_start3A_51 = tpu.memref_squeeze %dma_start3A_50 : memref<1x128xi32, #tpu.memory_space<vmem>> -> memref<128xi32, #tpu.memory_space<vmem>>
      %dma_start3A_52 = arith.constant 0 : i32
      %dma_start3A_53 = arith.constant 0 : i32
      %dma_start3A_54 = tpu.memref_slice %arg2[%dma_start3A_52, %dma_start3A_53] : memref<22000x128xf32, #tpu.memory_space<hbm>> -> memref<22000x128xf32, #tpu.memory_space<hbm>>
      tpu.enqueue_indirect_dma source(%dma_start3A_54 : memref<22000x128xf32, #tpu.memory_space<hbm>>) target(%dma_start3A_48 : memref<128x128xf32, #tpu.memory_space<vmem>>) offsets(%dma_start3A_51 : memref<128xi32, #tpu.memory_space<vmem>>) semaphore(%arg11 : memref<!tpu.dma_semaphore, #tpu.memory_space<semaphore_mem>>)
      %dma_wait3A = arith.constant 0 : i32
      %dma_wait3A_55 = arith.constant 0 : i32
      %dma_wait3A_56 = arith.constant 0 : i32
      %dma_wait3A_57 = tpu.memref_slice %arg9[%dma_wait3A, %dma_wait3A_55, %dma_wait3A_56] : memref<2x128x128xf32, #tpu.memory_space<vmem>> -> memref<1x128x128xf32, #tpu.memory_space<vmem>>
      %dma_wait3A_58 = tpu.memref_squeeze %dma_wait3A_57 : memref<1x128x128xf32, #tpu.memory_space<vmem>> -> memref<128x128xf32, #tpu.memory_space<vmem>>
      %dma_wait3A_59 = arith.constant 0 : i32
      %dma_wait3A_60 = tpu.memref_slice %arg7[%add3A_29, %dma_wait3A_59] : memref<40x128xi32, #tpu.memory_space<vmem>> -> memref<1x128xi32, #tpu.memory_space<vmem>>
      %dma_wait3A_61 = tpu.memref_squeeze %dma_wait3A_60 : memref<1x128xi32, #tpu.memory_space<vmem>> -> memref<128xi32, #tpu.memory_space<vmem>>
      %dma_wait3A_62 = arith.constant 0 : i32
      %dma_wait3A_63 = arith.constant 0 : i32
      %dma_wait3A_64 = tpu.memref_slice %arg2[%dma_wait3A_62, %dma_wait3A_63] : memref<22000x128xf32, #tpu.memory_space<hbm>> -> memref<22000x128xf32, #tpu.memory_space<hbm>>
      tpu.wait_indirect_dma semaphore(%arg11 : memref<!tpu.dma_semaphore, #tpu.memory_space<semaphore_mem>>) src(%dma_wait3A_64 : memref<22000x128xf32, #tpu.memory_space<hbm>>) dst(%dma_wait3A_58 : memref<128x128xf32, #tpu.memory_space<vmem>>)
      %mul3A_65 = arith.constant 2 : i32
      %mul3A_66 = arith.muli %scan3A_25, %mul3A_65 : i32
      %add3A_67 = arith.constant 0 : i32
      %add3A_68 = arith.addi %mul3A_66, %add3A_67 : i32
      %dma_start3A_69 = arith.constant 0 : i32
      %dma_start3A_70 = arith.constant 0 : i32
      %dma_start3A_71 = arith.constant 0 : i32
      %dma_start3A_72 = tpu.memref_slice %arg9[%dma_start3A_69, %dma_start3A_70, %dma_start3A_71] : memref<2x128x128xf32, #tpu.memory_space<vmem>> -> memref<1x128x128xf32, #tpu.memory_space<vmem>>
      %dma_start3A_73 = tpu.memref_squeeze %dma_start3A_72 : memref<1x128x128xf32, #tpu.memory_space<vmem>> -> memref<128x128xf32, #tpu.memory_space<vmem>>
      %dma_start3A_74 = arith.constant 0 : i32
      %dma_start3A_75 = tpu.memref_slice %arg8[%add3A_68, %dma_start3A_74] : memref<40x128xi32, #tpu.memory_space<vmem>> -> memref<1x128xi32, #tpu.memory_space<vmem>>
      %dma_start3A_76 = tpu.memref_squeeze %dma_start3A_75 : memref<1x128xi32, #tpu.memory_space<vmem>> -> memref<128xi32, #tpu.memory_space<vmem>>
      %dma_start3A_77 = arith.constant 0 : i32
      %dma_start3A_78 = arith.constant 0 : i32
      %dma_start3A_79 = tpu.memref_slice %arg10[%dma_start3A_77, %dma_start3A_78] : memref<10112x128xf32, #tpu.memory_space<vmem_shared>> -> memref<10112x128xf32, #tpu.memory_space<vmem_shared>>
      tpu.enqueue_indirect_dma source(%dma_start3A_73 : memref<128x128xf32, #tpu.memory_space<vmem>>) target(%dma_start3A_79 : memref<10112x128xf32, #tpu.memory_space<vmem_shared>>) offsets(%dma_start3A_76 : memref<128xi32, #tpu.memory_space<vmem>>) semaphore(%arg12 : memref<!tpu.dma_semaphore, #tpu.memory_space<semaphore_mem>>) {add = true}
      %dma_wait3A_80 = arith.constant 1 : i32
      %dma_wait3A_81 = arith.constant 0 : i32
      %dma_wait3A_82 = arith.constant 0 : i32
      %dma_wait3A_83 = tpu.memref_slice %arg9[%dma_wait3A_80, %dma_wait3A_81, %dma_wait3A_82] : memref<2x128x128xf32, #tpu.memory_space<vmem>> -> memref<1x128x128xf32, #tpu.memory_space<vmem>>
      %dma_wait3A_84 = tpu.memref_squeeze %dma_wait3A_83 : memref<1x128x128xf32, #tpu.memory_space<vmem>> -> memref<128x128xf32, #tpu.memory_space<vmem>>
      %dma_wait3A_85 = arith.constant 0 : i32
      %dma_wait3A_86 = tpu.memref_slice %arg7[%add3A_43, %dma_wait3A_85] : memref<40x128xi32, #tpu.memory_space<vmem>> -> memref<1x128xi32, #tpu.memory_space<vmem>>
      %dma_wait3A_87 = tpu.memref_squeeze %dma_wait3A_86 : memref<1x128xi32, #tpu.memory_space<vmem>> -> memref<128xi32, #tpu.memory_space<vmem>>
      %dma_wait3A_88 = arith.constant 0 : i32
      %dma_wait3A_89 = arith.constant 0 : i32
      %dma_wait3A_90 = tpu.memref_slice %arg2[%dma_wait3A_88, %dma_wait3A_89] : memref<22000x128xf32, #tpu.memory_space<hbm>> -> memref<22000x128xf32, #tpu.memory_space<hbm>>
      tpu.wait_indirect_dma semaphore(%arg11 : memref<!tpu.dma_semaphore, #tpu.memory_space<semaphore_mem>>) src(%dma_wait3A_90 : memref<22000x128xf32, #tpu.memory_space<hbm>>) dst(%dma_wait3A_84 : memref<128x128xf32, #tpu.memory_space<vmem>>)
      %mul3A_91 = arith.constant 2 : i32
      %mul3A_92 = arith.muli %scan3A_25, %mul3A_91 : i32
      %add3A_93 = arith.constant 1 : i32
      %add3A_94 = arith.addi %mul3A_92, %add3A_93 : i32
      %dma_start3A_95 = arith.constant 1 : i32
      %dma_start3A_96 = arith.constant 0 : i32
      %dma_start3A_97 = arith.constant 0 : i32
      %dma_start3A_98 = tpu.memref_slice %arg9[%dma_start3A_95, %dma_start3A_96, %dma_start3A_97] : memref<2x128x128xf32, #tpu.memory_space<vmem>> -> memref<1x128x128xf32, #tpu.memory_space<vmem>>
      %dma_start3A_99 = tpu.memref_squeeze %dma_start3A_98 : memref<1x128x128xf32, #tpu.memory_space<vmem>> -> memref<128x128xf32, #tpu.memory_space<vmem>>
      %dma_start3A_100 = arith.constant 0 : i32
      %dma_start3A_101 = tpu.memref_slice %arg8[%add3A_94, %dma_start3A_100] : memref<40x128xi32, #tpu.memory_space<vmem>> -> memref<1x128xi32, #tpu.memory_space<vmem>>
      %dma_start3A_102 = tpu.memref_squeeze %dma_start3A_101 : memref<1x128xi32, #tpu.memory_space<vmem>> -> memref<128xi32, #tpu.memory_space<vmem>>
      %dma_start3A_103 = arith.constant 0 : i32
      %dma_start3A_104 = arith.constant 0 : i32
      %dma_start3A_105 = tpu.memref_slice %arg10[%dma_start3A_103, %dma_start3A_104] : memref<10112x128xf32, #tpu.memory_space<vmem_shared>> -> memref<10112x128xf32, #tpu.memory_space<vmem_shared>>
      tpu.enqueue_indirect_dma source(%dma_start3A_99 : memref<128x128xf32, #tpu.memory_space<vmem>>) target(%dma_start3A_105 : memref<10112x128xf32, #tpu.memory_space<vmem_shared>>) offsets(%dma_start3A_102 : memref<128xi32, #tpu.memory_space<vmem>>) semaphore(%arg12 : memref<!tpu.dma_semaphore, #tpu.memory_space<semaphore_mem>>) {add = true}
      %dma_wait3A_106 = arith.constant 0 : i32
      %dma_wait3A_107 = arith.constant 0 : i32
      %dma_wait3A_108 = arith.constant 0 : i32
      %dma_wait3A_109 = tpu.memref_slice %arg9[%dma_wait3A_106, %dma_wait3A_107, %dma_wait3A_108] : memref<2x128x128xf32, #tpu.memory_space<vmem>> -> memref<1x128x128xf32, #tpu.memory_space<vmem>>
      %dma_wait3A_110 = tpu.memref_squeeze %dma_wait3A_109 : memref<1x128x128xf32, #tpu.memory_space<vmem>> -> memref<128x128xf32, #tpu.memory_space<vmem>>
      %dma_wait3A_111 = arith.constant 0 : i32
      %dma_wait3A_112 = tpu.memref_slice %arg8[%add3A_68, %dma_wait3A_111] : memref<40x128xi32, #tpu.memory_space<vmem>> -> memref<1x128xi32, #tpu.memory_space<vmem>>
      %dma_wait3A_113 = tpu.memref_squeeze %dma_wait3A_112 : memref<1x128xi32, #tpu.memory_space<vmem>> -> memref<128xi32, #tpu.memory_space<vmem>>
      %dma_wait3A_114 = arith.constant 0 : i32
      %dma_wait3A_115 = arith.constant 0 : i32
      %dma_wait3A_116 = tpu.memref_slice %arg10[%dma_wait3A_114, %dma_wait3A_115] : memref<10112x128xf32, #tpu.memory_space<vmem_shared>> -> memref<10112x128xf32, #tpu.memory_space<vmem_shared>>
      tpu.wait_indirect_dma semaphore(%arg12 : memref<!tpu.dma_semaphore, #tpu.memory_space<semaphore_mem>>) src(%dma_wait3A_110 : memref<128x128xf32, #tpu.memory_space<vmem>>) dst(%dma_wait3A_116 : memref<10112x128xf32, #tpu.memory_space<vmem_shared>>)
      %dma_wait3A_117 = arith.constant 1 : i32
      %dma_wait3A_118 = arith.constant 0 : i32
      %dma_wait3A_119 = arith.constant 0 : i32
      %dma_wait3A_120 = tpu.memref_slice %arg9[%dma_wait3A_117, %dma_wait3A_118, %dma_wait3A_119] : memref<2x128x128xf32, #tpu.memory_space<vmem>> -> memref<1x128x128xf32, #tpu.memory_space<vmem>>
      %dma_wait3A_121 = tpu.memref_squeeze %dma_wait3A_120 : memref<1x128x128xf32, #tpu.memory_space<vmem>> -> memref<128x128xf32, #tpu.memory_space<vmem>>
      %dma_wait3A_122 = arith.constant 0 : i32
      %dma_wait3A_123 = tpu.memref_slice %arg8[%add3A_94, %dma_wait3A_122] : memref<40x128xi32, #tpu.memory_space<vmem>> -> memref<1x128xi32, #tpu.memory_space<vmem>>
      %dma_wait3A_124 = tpu.memref_squeeze %dma_wait3A_123 : memref<1x128xi32, #tpu.memory_space<vmem>> -> memref<128xi32, #tpu.memory_space<vmem>>
      %dma_wait3A_125 = arith.constant 0 : i32
      %dma_wait3A_126 = arith.constant 0 : i32
      %dma_wait3A_127 = tpu.memref_slice %arg10[%dma_wait3A_125, %dma_wait3A_126] : memref<10112x128xf32, #tpu.memory_space<vmem_shared>> -> memref<10112x128xf32, #tpu.memory_space<vmem_shared>>
      tpu.wait_indirect_dma semaphore(%arg12 : memref<!tpu.dma_semaphore, #tpu.memory_space<semaphore_mem>>) src(%dma_wait3A_121 : memref<128x128xf32, #tpu.memory_space<vmem>>) dst(%dma_wait3A_127 : memref<10112x128xf32, #tpu.memory_space<vmem_shared>>)
    }
    %scan3A_16 = arith.constant 20 : i32
    %barrier3A_17 = arith.constant 0 : index
    tpu.barrier barrier_id(%barrier3A_17)
    %mul3A_18 = arith.constant 632 : i32
    %mul3A_19 = arith.muli %arg1, %mul3A_18 : i32
    %mul3A_20 = arith.constant 11000 : i32
    %mul3A_21 = arith.muli %arg0, %mul3A_20 : i32
    %mul3A_22 = arith.constant 632 : i32
    %mul3A_23 = arith.muli %arg1, %mul3A_22 : i32
    %add3A_24 = arith.addi %mul3A_21, %mul3A_23 : i32
    "tpu.region"() ({
      %run_scoped3A = tpu.sem_alloc : memref<!tpu.dma_semaphore, #tpu.memory_space<semaphore_mem>>
      %dma_start3A = arith.constant 0 : i32
      %dma_start3A_25 = tpu.memref_slice %arg6[%add3A_24, %dma_start3A] : memref<22000x128xf32, #tpu.memory_space<hbm>> -> memref<632x128xf32, #tpu.memory_space<hbm>>
      %dma_start3A_26 = arith.constant 0 : i32
      %dma_start3A_27 = tpu.memref_slice %arg10[%mul3A_19, %dma_start3A_26] : memref<10112x128xf32, #tpu.memory_space<vmem_shared>> -> memref<632x128xf32, #tpu.memory_space<vmem_shared>>
      tpu.enqueue_dma source(%dma_start3A_27 : memref<632x128xf32, #tpu.memory_space<vmem_shared>>) target(%dma_start3A_25 : memref<632x128xf32, #tpu.memory_space<hbm>>) target_semaphore(%run_scoped3A : memref<!tpu.dma_semaphore, #tpu.memory_space<semaphore_mem>>)
      %dma_wait3A = arith.constant 0 : i32
      %dma_wait3A_28 = tpu.memref_slice %arg6[%add3A_24, %dma_wait3A] : memref<22000x128xf32, #tpu.memory_space<hbm>> -> memref<632x128xf32, #tpu.memory_space<hbm>>
      %dma_wait3A_29 = arith.constant 0 : i32
      %dma_wait3A_30 = tpu.memref_slice %arg10[%mul3A_19, %dma_wait3A_29] : memref<10112x128xf32, #tpu.memory_space<vmem_shared>> -> memref<632x128xf32, #tpu.memory_space<vmem_shared>>
      tpu.wait_dma2 semaphore(%run_scoped3A : memref<!tpu.dma_semaphore, #tpu.memory_space<semaphore_mem>>) src(%dma_wait3A_30 : memref<632x128xf32, #tpu.memory_space<vmem_shared>>) dst(%dma_wait3A_28 : memref<632x128xf32, #tpu.memory_space<hbm>>)
      tpu.yield
    }) : () -> ()
    return
  }
}

module attributes {stable_mosaic.version = 14 : i64} {
  func.func @body(%arg0: i32, %arg1: memref<1000x256xf32, #tpu.memory_space<vmem>>, %arg2: memref<2x1000x128xf32, #tpu.memory_space<vmem>>, %arg3: memref<2x1000x128xf32, #tpu.memory_space<vmem>>) attributes {dimension_semantics = [#tpu.dimension_semantics<arbitrary>], iteration_bounds = array<i64: 10>, scalar_prefetch = 0 : i64, scratch_operands = 0 : i64, tpu.core_type = #tpu.core_type<tc>, window_params = [{transform_indices = @transform_0, window_bounds = array<i64: 1000, 256>}, {transform_indices = @transform_1, window_bounds = array<i64: 2, 1000, 128>}, {transform_indices = @transform_2, window_bounds = array<i64: 2, 1000, 128>}]} {
    %get3A = arith.constant 0 : index
    %get3A_0 = arith.constant 0 : index
    %get3A_1 = vector.load %arg1[%get3A, %get3A_0] : memref<1000x256xf32, #tpu.memory_space<vmem>>, vector<1000x256xf32>
    %get3A_2 = arith.constant 0 : index
    %get3A_3 = arith.constant 0 : index
    %get3A_4 = arith.constant 0 : index
    %get3A_5 = vector.load %arg2[%get3A_2, %get3A_3, %get3A_4] : memref<2x1000x128xf32, #tpu.memory_space<vmem>>, vector<1x1000x1xf32>
    %get3A_6 = vector.shape_cast %get3A_5 : vector<1x1000x1xf32> to vector<1000xf32>
    %get3A_7 = arith.constant 1 : index
    %get3A_8 = arith.constant 0 : index
    %get3A_9 = arith.constant 0 : index
    %get3A_10 = vector.load %arg2[%get3A_7, %get3A_8, %get3A_9] : memref<2x1000x128xf32, #tpu.memory_space<vmem>>, vector<1x1000x1xf32>
    %get3A_11 = vector.shape_cast %get3A_10 : vector<1x1000x1xf32> to vector<1000xf32>
    %add3A = arith.addf %get3A_6, %get3A_11 : vector<1000xf32>
    %add3A_12 = arith.constant 1.000000e+00 : f32
    %add3A_13 = vector.broadcast %add3A_12 : f32 to vector<1000xf32>
    %add3A_14 = arith.addf %add3A, %add3A_13 : vector<1000xf32>
    %rsqrt3A = math.rsqrt %add3A_14 : vector<1000xf32>
    %broadcast_in_dim3A = vector.shape_cast %rsqrt3A : vector<1000xf32> to vector<1000x1xf32>
    %mul3A = vector.broadcast %broadcast_in_dim3A : vector<1000x1xf32> to vector<1000x256xf32>
    %mul3A_15 = arith.mulf %get3A_1, %mul3A : vector<1000x256xf32>
    %slice3A = vector.extract_strided_slice %mul3A_15 {offsets = [0, 0], sizes = [1000, 128], strides = [1, 1]} : vector<1000x256xf32> to vector<1000x128xf32>
    %swap3A = arith.constant 0 : index
    %swap3A_16 = arith.constant 0 : index
    %swap3A_17 = arith.constant 0 : index
    %swap3A_18 = vector.load %arg3[%swap3A, %swap3A_16, %swap3A_17] : memref<2x1000x128xf32, #tpu.memory_space<vmem>>, vector<1x1000x128xf32>
    %swap3A_19 = vector.shape_cast %swap3A_18 : vector<1x1000x128xf32> to vector<1000x128xf32>
    %swap3A_20 = vector.shape_cast %slice3A : vector<1000x128xf32> to vector<1x1000x128xf32>
    tpu.vector_store %arg3[%swap3A, %swap3A_16, %swap3A_17], %swap3A_20 {strides = array<i32>} : memref<2x1000x128xf32, #tpu.memory_space<vmem>>, vector<1x1000x128xf32>,
    %slice3A_21 = vector.extract_strided_slice %mul3A_15 {offsets = [0, 128], sizes = [1000, 128], strides = [1, 1]} : vector<1000x256xf32> to vector<1000x128xf32>
    %swap3A_22 = arith.constant 1 : index
    %swap3A_23 = arith.constant 0 : index
    %swap3A_24 = arith.constant 0 : index
    %swap3A_25 = vector.load %arg3[%swap3A_22, %swap3A_23, %swap3A_24] : memref<2x1000x128xf32, #tpu.memory_space<vmem>>, vector<1x1000x128xf32>
    %swap3A_26 = vector.shape_cast %swap3A_25 : vector<1x1000x128xf32> to vector<1000x128xf32>
    %swap3A_27 = vector.shape_cast %slice3A_21 : vector<1000x128xf32> to vector<1x1000x128xf32>
    tpu.vector_store %arg3[%swap3A_22, %swap3A_23, %swap3A_24], %swap3A_27 {strides = array<i32>} : memref<2x1000x128xf32, #tpu.memory_space<vmem>>, vector<1x1000x128xf32>,
    return
  }
  func.func @transform_0(%arg0: i32) -> (i32, i32) {
    %c0_i32 = arith.constant 0 : i32
    %c0_i32_0 = arith.constant 0 : i32
    return %arg0, %c0_i32 : i32, i32
  }
  func.func @transform_1(%arg0: i32) -> (i32, i32, i32) {
    %c0_i32 = arith.constant 0 : i32
    %c0_i32_0 = arith.constant 0 : i32
    %c0_i32_1 = arith.constant 0 : i32
    return %c0_i32, %arg0, %c0_i32_0 : i32, i32, i32
  }
  func.func @transform_2(%arg0: i32) -> (i32, i32, i32) {
    %c0_i32 = arith.constant 0 : i32
    %c0_i32_0 = arith.constant 0 : i32
    %c0_i32_1 = arith.constant 0 : i32
    return %c0_i32, %arg0, %c0_i32_0 : i32, i32, i32
  }
}

module attributes {stable_mosaic.version = 14 : i64} {
  func.func @body(%arg0: i32, %arg1: memref<2x1000x128xf32, #tpu.memory_space<vmem>>, %arg2: memref<2x1000x128xf32, #tpu.memory_space<vmem>>, %arg3: memref<2x1000x128xf32, #tpu.memory_space<vmem>>, %arg4: memref<256x512xf32, #tpu.memory_space<vmem>>, %arg5: memref<512xf32, #tpu.memory_space<vmem>>, %arg6: memref<512x256xf32, #tpu.memory_space<vmem>>, %arg7: memref<2x1000x128xf32, #tpu.memory_space<vmem>>) attributes {dimension_semantics = [#tpu.dimension_semantics<arbitrary>], iteration_bounds = array<i64: 10>, scalar_prefetch = 0 : i64, scratch_operands = 0 : i64, tpu.core_type = #tpu.core_type<tc>, window_params = [{transform_indices = @transform_0, window_bounds = array<i64: 2, 1000, 128>}, {transform_indices = @transform_1, window_bounds = array<i64: 2, 1000, 128>}, {transform_indices = @transform_2, window_bounds = array<i64: 2, 1000, 128>}, {pipeline_mode = #tpu.pipeline_mode<synchronous>, transform_indices = @transform_3, window_bounds = array<i64: 256, 512>}, {pipeline_mode = #tpu.pipeline_mode<synchronous>, transform_indices = @transform_4, window_bounds = array<i64: 512>}, {pipeline_mode = #tpu.pipeline_mode<synchronous>, transform_indices = @transform_5, window_bounds = array<i64: 512, 256>}, {transform_indices = @transform_6, window_bounds = array<i64: 2, 1000, 128>}]} {
    %get3A = arith.constant 0 : index
    %get3A_0 = arith.constant 0 : index
    %get3A_1 = arith.constant 0 : index
    %get3A_2 = vector.load %arg3[%get3A, %get3A_0, %get3A_1] : memref<2x1000x128xf32, #tpu.memory_space<vmem>>, vector<1x1000x1xf32>
    %get3A_3 = vector.shape_cast %get3A_2 : vector<1x1000x1xf32> to vector<1000xf32>
    %get3A_4 = arith.constant 1 : index
    %get3A_5 = arith.constant 0 : index
    %get3A_6 = arith.constant 0 : index
    %get3A_7 = vector.load %arg3[%get3A_4, %get3A_5, %get3A_6] : memref<2x1000x128xf32, #tpu.memory_space<vmem>>, vector<1x1000x1xf32>
    %get3A_8 = vector.shape_cast %get3A_7 : vector<1x1000x1xf32> to vector<1000xf32>
    %add3A = arith.addf %get3A_3, %get3A_8 : vector<1000xf32>
    %add3A_9 = arith.constant 1.000000e+00 : f32
    %add3A_10 = vector.broadcast %add3A_9 : f32 to vector<1000xf32>
    %add3A_11 = arith.addf %add3A, %add3A_10 : vector<1000xf32>
    %rsqrt3A = math.rsqrt %add3A_11 : vector<1000xf32>
    %broadcast_in_dim3A = vector.shape_cast %rsqrt3A : vector<1000xf32> to vector<1000x1xf32>
    %get3A_12 = arith.constant 0 : index
    %get3A_13 = arith.constant 0 : index
    %get3A_14 = arith.constant 0 : index
    %get3A_15 = vector.load %arg1[%get3A_12, %get3A_13, %get3A_14] : memref<2x1000x128xf32, #tpu.memory_space<vmem>>, vector<1x1000x128xf32>
    %get3A_16 = vector.shape_cast %get3A_15 : vector<1x1000x128xf32> to vector<1000x128xf32>
    %get3A_17 = arith.constant 0 : index
    %get3A_18 = arith.constant 0 : index
    %get3A_19 = arith.constant 0 : index
    %get3A_20 = vector.load %arg2[%get3A_17, %get3A_18, %get3A_19] : memref<2x1000x128xf32, #tpu.memory_space<vmem>>, vector<1x1000x128xf32>
    %get3A_21 = vector.shape_cast %get3A_20 : vector<1x1000x128xf32> to vector<1000x128xf32>
    %add3A_22 = arith.addf %get3A_16, %get3A_21 : vector<1000x128xf32>
    %get3A_23 = arith.constant 1 : index
    %get3A_24 = arith.constant 0 : index
    %get3A_25 = arith.constant 0 : index
    %get3A_26 = vector.load %arg1[%get3A_23, %get3A_24, %get3A_25] : memref<2x1000x128xf32, #tpu.memory_space<vmem>>, vector<1x1000x128xf32>
    %get3A_27 = vector.shape_cast %get3A_26 : vector<1x1000x128xf32> to vector<1000x128xf32>
    %get3A_28 = arith.constant 1 : index
    %get3A_29 = arith.constant 0 : index
    %get3A_30 = arith.constant 0 : index
    %get3A_31 = vector.load %arg2[%get3A_28, %get3A_29, %get3A_30] : memref<2x1000x128xf32, #tpu.memory_space<vmem>>, vector<1x1000x128xf32>
    %get3A_32 = vector.shape_cast %get3A_31 : vector<1x1000x128xf32> to vector<1000x128xf32>
    %add3A_33 = arith.addf %get3A_27, %get3A_32 : vector<1000x128xf32>
    %concatenate3A = tpu.concatenate %add3A_22, %add3A_33 in 1 : vector<1000x128xf32>, vector<1000x128xf32> -> vector<1000x256xf32>
    %mul3A = vector.broadcast %broadcast_in_dim3A : vector<1000x1xf32> to vector<1000x256xf32>
    %mul3A_34 = arith.mulf %concatenate3A, %mul3A : vector<1000x256xf32>
    %get3A_35 = arith.constant 0 : index
    %get3A_36 = arith.constant 0 : index
    %get3A_37 = vector.load %arg4[%get3A_35, %get3A_36] : memref<256x512xf32, #tpu.memory_space<vmem>>, vector<256x512xf32>
    %dot_general3A = arith.constant dense<0.000000e+00> : vector<1000x512xf32>
    %dot_general3A_38 = tpu.matmul %mul3A_34, %get3A_37, %dot_general3A {dimension_numbers = #tpu.dot_dimension_numbers<[1], [0], [0], [1], [0, 0, 1, 1], [], []>, transpose_lhs_hint = false} : vector<1000x256xf32>, vector<256x512xf32>, vector<1000x512xf32> -> vector<1000x512xf32>
    %get3A_39 = arith.constant 0 : index
    %get3A_40 = vector.load %arg5[%get3A_39] : memref<512xf32, #tpu.memory_space<vmem>>, vector<512xf32>
    %broadcast_in_dim3A_41 = vector.shape_cast %get3A_40 : vector<512xf32> to vector<1x512xf32>
    %add3A_42 = vector.broadcast %broadcast_in_dim3A_41 : vector<1x512xf32> to vector<1000x512xf32>
    %add3A_43 = arith.addf %dot_general3A_38, %add3A_42 : vector<1000x512xf32>
    %max3A = arith.constant 0.000000e+00 : f32
    %max3A_44 = vector.broadcast %max3A : f32 to vector<1000x512xf32>
    %max3A_45 = arith.maximumf %add3A_43, %max3A_44 : vector<1000x512xf32>
    %get3A_46 = arith.constant 0 : index
    %get3A_47 = arith.constant 0 : index
    %get3A_48 = vector.load %arg6[%get3A_46, %get3A_47] : memref<512x256xf32, #tpu.memory_space<vmem>>, vector<512x256xf32>
    %dot_general3A_49 = arith.constant dense<0.000000e+00> : vector<1000x256xf32>
    %dot_general3A_50 = tpu.matmul %max3A_45, %get3A_48, %dot_general3A_49 {dimension_numbers = #tpu.dot_dimension_numbers<[1], [0], [0], [1], [0, 0, 1, 1], [], []>, transpose_lhs_hint = false} : vector<1000x512xf32>, vector<512x256xf32>, vector<1000x256xf32> -> vector<1000x256xf32>
    %mul3A_51 = vector.broadcast %broadcast_in_dim3A : vector<1000x1xf32> to vector<1000x256xf32>
    %mul3A_52 = arith.mulf %dot_general3A_50, %mul3A_51 : vector<1000x256xf32>
    %slice3A = vector.extract_strided_slice %mul3A_52 {offsets = [0, 0], sizes = [1000, 128], strides = [1, 1]} : vector<1000x256xf32> to vector<1000x128xf32>
    %swap3A = arith.constant 0 : index
    %swap3A_53 = arith.constant 0 : index
    %swap3A_54 = arith.constant 0 : index
    %swap3A_55 = vector.load %arg7[%swap3A, %swap3A_53, %swap3A_54] : memref<2x1000x128xf32, #tpu.memory_space<vmem>>, vector<1x1000x128xf32>
    %swap3A_56 = vector.shape_cast %swap3A_55 : vector<1x1000x128xf32> to vector<1000x128xf32>
    %swap3A_57 = vector.shape_cast %slice3A : vector<1000x128xf32> to vector<1x1000x128xf32>
    tpu.vector_store %arg7[%swap3A, %swap3A_53, %swap3A_54], %swap3A_57 {strides = array<i32>} : memref<2x1000x128xf32, #tpu.memory_space<vmem>>, vector<1x1000x128xf32>,
    %slice3A_58 = vector.extract_strided_slice %mul3A_52 {offsets = [0, 128], sizes = [1000, 128], strides = [1, 1]} : vector<1000x256xf32> to vector<1000x128xf32>
    %swap3A_59 = arith.constant 1 : index
    %swap3A_60 = arith.constant 0 : index
    %swap3A_61 = arith.constant 0 : index
    %swap3A_62 = vector.load %arg7[%swap3A_59, %swap3A_60, %swap3A_61] : memref<2x1000x128xf32, #tpu.memory_space<vmem>>, vector<1x1000x128xf32>
    %swap3A_63 = vector.shape_cast %swap3A_62 : vector<1x1000x128xf32> to vector<1000x128xf32>
    %swap3A_64 = vector.shape_cast %slice3A_58 : vector<1000x128xf32> to vector<1x1000x128xf32>
    tpu.vector_store %arg7[%swap3A_59, %swap3A_60, %swap3A_61], %swap3A_64 {strides = array<i32>} : memref<2x1000x128xf32, #tpu.memory_space<vmem>>, vector<1x1000x128xf32>,
    return
  }
  func.func @transform_0(%arg0: i32) -> (i32, i32, i32) {
    %c0_i32 = arith.constant 0 : i32
    %c0_i32_0 = arith.constant 0 : i32
    %c0_i32_1 = arith.constant 0 : i32
    return %c0_i32, %arg0, %c0_i32_0 : i32, i32, i32
  }
  func.func @transform_1(%arg0: i32) -> (i32, i32, i32) {
    %c0_i32 = arith.constant 0 : i32
    %c0_i32_0 = arith.constant 0 : i32
    %c0_i32_1 = arith.constant 0 : i32
    return %c0_i32, %arg0, %c0_i32_0 : i32, i32, i32
  }
  func.func @transform_2(%arg0: i32) -> (i32, i32, i32) {
    %c0_i32 = arith.constant 0 : i32
    %c0_i32_0 = arith.constant 0 : i32
    %c0_i32_1 = arith.constant 0 : i32
    return %c0_i32, %arg0, %c0_i32_0 : i32, i32, i32
  }
  func.func @transform_3(%arg0: i32) -> (i32, i32) {
    %c0_i32 = arith.constant 0 : i32
    %c0_i32_0 = arith.constant 0 : i32
    %c0_i32_1 = arith.constant 0 : i32
    return %c0_i32, %c0_i32_0 : i32, i32
  }
  func.func @transform_4(%arg0: i32) -> i32 {
    %c0_i32 = arith.constant 0 : i32
    %c0_i32_0 = arith.constant 0 : i32
    return %c0_i32 : i32
  }
  func.func @transform_5(%arg0: i32) -> (i32, i32) {
    %c0_i32 = arith.constant 0 : i32
    %c0_i32_0 = arith.constant 0 : i32
    %c0_i32_1 = arith.constant 0 : i32
    return %c0_i32, %c0_i32_0 : i32, i32
  }
  func.func @transform_6(%arg0: i32) -> (i32, i32, i32) {
    %c0_i32 = arith.constant 0 : i32
    %c0_i32_0 = arith.constant 0 : i32
    %c0_i32_1 = arith.constant 0 : i32
    return %c0_i32, %arg0, %c0_i32_0 : i32, i32, i32
  }
}

module attributes {stable_mosaic.version = 14 : i64} {
  func.func @body(%arg0: i32, %arg1: memref<2x1000x128xf32, #tpu.memory_space<vmem>>, %arg2: memref<2x1000x128xf32, #tpu.memory_space<vmem>>, %arg3: memref<2x1000x128xf32, #tpu.memory_space<vmem>>, %arg4: memref<256xf32, #tpu.memory_space<vmem>>, %arg5: memref<1000x256xf32, #tpu.memory_space<vmem>>) attributes {dimension_semantics = [#tpu.dimension_semantics<arbitrary>], iteration_bounds = array<i64: 10>, scalar_prefetch = 0 : i64, scratch_operands = 0 : i64, tpu.core_type = #tpu.core_type<tc>, window_params = [{transform_indices = @transform_0, window_bounds = array<i64: 2, 1000, 128>}, {transform_indices = @transform_1, window_bounds = array<i64: 2, 1000, 128>}, {transform_indices = @transform_2, window_bounds = array<i64: 2, 1000, 128>}, {pipeline_mode = #tpu.pipeline_mode<synchronous>, transform_indices = @transform_3, window_bounds = array<i64: 256>}, {transform_indices = @transform_4, window_bounds = array<i64: 1000, 256>}]} {
    %get3A = arith.constant 0 : index
    %get3A_0 = arith.constant 0 : index
    %get3A_1 = arith.constant 0 : index
    %get3A_2 = vector.load %arg1[%get3A, %get3A_0, %get3A_1] : memref<2x1000x128xf32, #tpu.memory_space<vmem>>, vector<1x1000x128xf32>
    %get3A_3 = vector.shape_cast %get3A_2 : vector<1x1000x128xf32> to vector<1000x128xf32>
    %get3A_4 = arith.constant 0 : index
    %get3A_5 = arith.constant 0 : index
    %get3A_6 = arith.constant 0 : index
    %get3A_7 = vector.load %arg2[%get3A_4, %get3A_5, %get3A_6] : memref<2x1000x128xf32, #tpu.memory_space<vmem>>, vector<1x1000x128xf32>
    %get3A_8 = vector.shape_cast %get3A_7 : vector<1x1000x128xf32> to vector<1000x128xf32>
    %add3A = arith.addf %get3A_3, %get3A_8 : vector<1000x128xf32>
    %get3A_9 = arith.constant 1 : index
    %get3A_10 = arith.constant 0 : index
    %get3A_11 = arith.constant 0 : index
    %get3A_12 = vector.load %arg1[%get3A_9, %get3A_10, %get3A_11] : memref<2x1000x128xf32, #tpu.memory_space<vmem>>, vector<1x1000x128xf32>
    %get3A_13 = vector.shape_cast %get3A_12 : vector<1x1000x128xf32> to vector<1000x128xf32>
    %get3A_14 = arith.constant 1 : index
    %get3A_15 = arith.constant 0 : index
    %get3A_16 = arith.constant 0 : index
    %get3A_17 = vector.load %arg2[%get3A_14, %get3A_15, %get3A_16] : memref<2x1000x128xf32, #tpu.memory_space<vmem>>, vector<1x1000x128xf32>
    %get3A_18 = vector.shape_cast %get3A_17 : vector<1x1000x128xf32> to vector<1000x128xf32>
    %add3A_19 = arith.addf %get3A_13, %get3A_18 : vector<1000x128xf32>
    %concatenate3A = tpu.concatenate %add3A, %add3A_19 in 1 : vector<1000x128xf32>, vector<1000x128xf32> -> vector<1000x256xf32>
    %get3A_20 = arith.constant 0 : index
    %get3A_21 = arith.constant 0 : index
    %get3A_22 = arith.constant 0 : index
    %get3A_23 = vector.load %arg3[%get3A_20, %get3A_21, %get3A_22] : memref<2x1000x128xf32, #tpu.memory_space<vmem>>, vector<1x1000x1xf32>
    %get3A_24 = vector.shape_cast %get3A_23 : vector<1x1000x1xf32> to vector<1000xf32>
    %get3A_25 = arith.constant 1 : index
    %get3A_26 = arith.constant 0 : index
    %get3A_27 = arith.constant 0 : index
    %get3A_28 = vector.load %arg3[%get3A_25, %get3A_26, %get3A_27] : memref<2x1000x128xf32, #tpu.memory_space<vmem>>, vector<1x1000x1xf32>
    %get3A_29 = vector.shape_cast %get3A_28 : vector<1x1000x1xf32> to vector<1000xf32>
    %add3A_30 = arith.addf %get3A_24, %get3A_29 : vector<1000xf32>
    %add3A_31 = arith.constant 1.000000e+00 : f32
    %add3A_32 = vector.broadcast %add3A_31 : f32 to vector<1000xf32>
    %add3A_33 = arith.addf %add3A_30, %add3A_32 : vector<1000xf32>
    %rsqrt3A = math.rsqrt %add3A_33 : vector<1000xf32>
    %broadcast_in_dim3A = vector.shape_cast %rsqrt3A : vector<1000xf32> to vector<1000x1xf32>
    %mul3A = vector.broadcast %broadcast_in_dim3A : vector<1000x1xf32> to vector<1000x256xf32>
    %mul3A_34 = arith.mulf %concatenate3A, %mul3A : vector<1000x256xf32>
    %get3A_35 = arith.constant 0 : index
    %get3A_36 = vector.load %arg4[%get3A_35] : memref<256xf32, #tpu.memory_space<vmem>>, vector<256xf32>
    %broadcast_in_dim3A_37 = vector.shape_cast %get3A_36 : vector<256xf32> to vector<1x256xf32>
    %add3A_38 = vector.broadcast %broadcast_in_dim3A_37 : vector<1x256xf32> to vector<1000x256xf32>
    %add3A_39 = arith.addf %mul3A_34, %add3A_38 : vector<1000x256xf32>
    %tanh3A = math.tanh %add3A_39 : vector<1000x256xf32>
    %swap3A = arith.constant 0 : index
    %swap3A_40 = arith.constant 0 : index
    %swap3A_41 = vector.load %arg5[%swap3A, %swap3A_40] : memref<1000x256xf32, #tpu.memory_space<vmem>>, vector<1000x256xf32>
    tpu.vector_store %arg5[%swap3A, %swap3A_40], %tanh3A {strides = array<i32>} : memref<1000x256xf32, #tpu.memory_space<vmem>>, vector<1000x256xf32>,
    return
  }
  func.func @transform_0(%arg0: i32) -> (i32, i32, i32) {
    %c0_i32 = arith.constant 0 : i32
    %c0_i32_0 = arith.constant 0 : i32
    %c0_i32_1 = arith.constant 0 : i32
    return %c0_i32, %arg0, %c0_i32_0 : i32, i32, i32
  }
  func.func @transform_1(%arg0: i32) -> (i32, i32, i32) {
    %c0_i32 = arith.constant 0 : i32
    %c0_i32_0 = arith.constant 0 : i32
    %c0_i32_1 = arith.constant 0 : i32
    return %c0_i32, %arg0, %c0_i32_0 : i32, i32, i32
  }
  func.func @transform_2(%arg0: i32) -> (i32, i32, i32) {
    %c0_i32 = arith.constant 0 : i32
    %c0_i32_0 = arith.constant 0 : i32
    %c0_i32_1 = arith.constant 0 : i32
    return %c0_i32, %arg0, %c0_i32_0 : i32, i32, i32
  }
  func.func @transform_3(%arg0: i32) -> i32 {
    %c0_i32 = arith.constant 0 : i32
    %c0_i32_0 = arith.constant 0 : i32
    return %c0_i32 : i32
  }
  func.func @transform_4(%arg0: i32) -> (i32, i32) {
    %c0_i32 = arith.constant 0 : i32
    %c0_i32_0 = arith.constant 0 : i32
    return %arg0, %c0_i32 : i32, i32
  }
}

</mosaic_0001>

<sc_bundles>
// kernel: kernel.11.cloned.1.call-start
scs
__scs_entry_jumppad:
0x0: {  	(pc) =	sbr.rel $0x88, $3  }
0x1: {  	(tag) =	ssettag $0x0;
	lr =	simm.s32 $0x1  }
0x2: {  	[smem:$0x3F9B] =	sst lr;
	_ =	strace $0xD0000000  }
0x3: {  	_ = 	snop  }
0x4: {  	_ = 	snop  }
0x5: {  	_ = 	snop  }
0x6: {  	_ = 	snop  }
0x7: {  	_ = 	snop  }
__scs_overlays_trampoline_lowered:
0x8: {  	[smem:$0x3FAA] =	sst s0  }
0x9: {  	[smem:$0x3FAB] =	sst s1  }
0xa: {  	[smem:$0x3FAC] =	sst s2  }
0xb: {  	[smem:$0x3FAD] =	sst s3  }
0xc: {  	[smem:$0x3FAE] =	sst s4  }
0xd: {  	[smem:$0x3FAF] =	sst s5  }
0xe: {  	[smem:$0x3FB0] =	sst s6  }
0xf: {  	[smem:$0x3FB1] =	sst s7  }
0x10: {  	[smem:$0x3FB2] =	sst s8  }
0x11: {  	[smem:$0x3FB3] =	sst s9;
	s0 =	simm.s32 @!p0 $0x0  }
0x12: {  	s1 =	sld [smem:$0x3F99];
	s0 =	simm.s32 @p0 $0x1  }
0x13: {  	[smem:$0x3FB4] =	sst s0;
	s0 =	simm.s32 @!p1 $0x0  }
0x14: {  	s2 =	sld [smem:$0x3F98];
	s0 =	simm.s32 @p1 $0x1  }
0x15: {  	[smem:$0x3FB5] =	sst s0;
	s0 =	simm.s32 @!p2 $0x0  }
0x16: {  	s3 =	sld [smem:$0x3FDB];
	s0 =	simm.s32 @p2 $0x1  }
0x17: {  	s4 =	simm.s32 $0x1BF5;
	[smem:$0x3FB7] =	sst s0  }
0x18: {  	s0 =	sld [smem:$0x3F9A];
	_ =	swait.ge [sflag:s4], $0x0  }
0x19: {  	s7 =	sld [smem:$0x3F9B]  }
0x1a: {  	s8 =	sadd.s32 $0xFFFFE003, lr  }
0x1b: {  	s9 =	sadd.s32 $0xFFFFFEF7, lr;
	s5 =	simm.s32 $0xFFFFFFFF;
	p2 =	slt.u32 s8, $0xFFFFF086  }
0x1c: {  	p1 =	slt.u32 s9, $0xF7A;
	s5 =	simm.s32 @!p2 $0x0  }
0x1d: {  	s5 =	simm.s32 @p1 $0x1;
	p0 =	seq.s32 s7, s2  }
0x1e: {  	s7 =	smul.u32 @!p0 $0xF7A, s2;
	p2 =	seq.s32 @!p0 s5, $0x0  }
0x1f: {  	s9 =	smul.u32 $0xF7A, s1;
	s8 =	simm.s32 @!p0 $0x1BF5;
	p2 =	por !p2, p0  }
0x20: {  	[sflag:s8] =	ssyncset.s32 @!p0 $0xFFFFF086;
	s6 =	sadd.s32 @!p0 s3, s7;
	s7 =	simm.s32 @!p0 $0x108  }
0x21: {  	s3 =	sadd.s32 s3, s9;
	s6 =	sadd.s32 @!p0 $0x88, s6;
	s7 =	simm.s32 @p2 $0x1082  }
0x22: {  	[simem:s7], [sflag:s8] =	dma.local @!p0 [hbm:s6], $0xF7A  }
0x23: {  	s9 =	sor.u32 $0xD0000000, s2;
	s6 =	simm.s32 $0x108;
	_ =	swait.ge @!p0 [sflag:s8], $0x0  }
0x24: {  	s3 =	sadd.s32 $0x88, s3;
	s6 =	simm.s32 @!p1 $0x1082;
	[sflag:s4] =	ssyncset.s32 $0xFFFFF086  }
0x25: {  	[simem:s6], [sflag:s4] =	dma.local [hbm:s3], $0xF7A  }
0x26: {  	[smem:$0x3F9B] =	sst s1;
	(tag) =	ssettag s2;
	_ =	strace s9  }
0x27: {  	s1 =	sld [smem:$0x3FAB]  }
0x28: {  	s2 =	sld [smem:$0x3FAC]  }
0x29: {  	s4 =	sld [smem:$0x3FAE]  }
0x2a: {  	p0 =	seq.s32 s5, $0x0;
	s5 =	sld [smem:$0x3FAF]  }
0x2b: {  	s6 =	sld [smem:$0x3FB0]  }
0x2c: {  	s7 =	sld [smem:$0x3FB1]  }
0x2d: {  	s3 =	simm.s32 $0x108;
	s8 =	sld [smem:$0x3FB2]  }
0x2e: {  	s3 =	simm.s32 @!p0 $0x1082;
	s9 =	sld [smem:$0x3FB3]  }
0x2f: {  	lr =	sadd.s32 s0, s3;
	s0 =	sld [smem:$0x3FAA]  }
0x30: {  	s3 =	sld [smem:$0x3FAD]  }
0x31: {  	[smem:$0x3FB6] =	sst s10  }
0x32: {  	s10 =	sld [smem:$0x3FB4];
	_ =	sdelay $0x3  }
0x33: {  	p0 =	seq.s32 s10, $0x1;
	s10 =	sld [smem:$0x3FB6];
	_ =	sdelay $0x3  }
0x34: {  	[smem:$0x3FB6] =	sst s10  }
0x35: {  	s10 =	sld [smem:$0x3FB5];
	_ =	sdelay $0x3  }
0x36: {  	p1 =	seq.s32 s10, $0x1;
	s10 =	sld [smem:$0x3FB6];
	_ =	sdelay $0x3  }
0x37: {  	[smem:$0x3FB6] =	sst s10  }
0x38: {  	s10 =	sld [smem:$0x3FB7]  }
0x39: {  	_ = 	snop;
	(pc) =	sbr.ind lr, $3  }
0x3a: {  	_ = 	snop  }
0x3b: {  	_ = 	snop  }
0x3c: {  	p2 =	seq.s32 s10, $0x1;
	s10 =	sld [smem:$0x3FB6]  }
0x3d: {  	_ =	shalt  }
0x3e: {  	_ =	shalt  }
0x3f: {  	_ =	shalt  }
0x40: {  	_ =	shalt  }
0x41: {  	_ =	shalt  }
0x42: {  	_ =	shalt  }
0x43: {  	_ =	shalt  }
0x44: {  	_ =	shalt  }
0x45: {  	_ =	shalt  }
0x46: {  	_ =	shalt  }
0x47: {  	_ =	shalt  }
0x48: {  	_ =	shalt  }
0x49: {  	_ =	shalt  }
0x4a: {  	_ =	shalt  }
0x4b: {  	_ =	shalt  }
0x4c: {  	_ =	shalt  }
0x4d: {  	_ =	shalt  }
0x4e: {  	_ =	shalt  }
0x4f: {  	_ =	shalt  }
0x50: {  	_ =	shalt  }
0x51: {  	_ =	shalt  }
0x52: {  	_ =	shalt  }
0x53: {  	_ =	shalt  }
0x54: {  	_ =	shalt  }
0x55: {  	_ =	shalt  }
0x56: {  	_ =	shalt  }
0x57: {  	_ =	shalt  }
0x58: {  	_ =	shalt  }
0x59: {  	_ =	shalt  }
0x5a: {  	_ =	shalt  }
0x5b: {  	_ =	shalt  }
0x5c: {  	_ =	shalt  }
0x5d: {  	_ =	shalt  }
0x5e: {  	_ =	shalt  }
0x5f: {  	_ =	shalt  }
0x60: {  	_ =	shalt  }
0x61: {  	_ =	shalt  }
0x62: {  	_ =	shalt  }
0x63: {  	_ =	shalt  }
0x64: {  	_ =	shalt  }
0x65: {  	_ =	shalt  }
0x66: {  	_ =	shalt  }
0x67: {  	_ =	shalt  }
0x68: {  	_ =	shalt  }
0x69: {  	_ =	shalt  }
0x6a: {  	_ =	shalt  }
0x6b: {  	_ =	shalt  }
0x6c: {  	_ =	shalt  }
0x6d: {  	_ =	shalt  }
0x6e: {  	_ =	shalt  }
0x6f: {  	_ =	shalt  }
0x70: {  	_ =	shalt  }
0x71: {  	_ =	shalt  }
0x72: {  	_ =	shalt  }
0x73: {  	_ =	shalt  }
0x74: {  	_ =	shalt  }
0x75: {  	_ =	shalt  }
0x76: {  	_ =	shalt  }
0x77: {  	_ =	shalt  }
0x78: {  	_ =	shalt  }
0x79: {  	_ =	shalt  }
0x7a: {  	_ =	shalt  }
0x7b: {  	_ =	shalt  }
0x7c: {  	_ =	shalt  }
0x7d: {  	_ =	shalt  }
0x7e: {  	_ =	shalt  }
0x7f: {  	_ =	shalt  }
0x80: {  	_ =	shalt  }
0x81: {  	_ =	shalt  }
0x82: {  	_ =	shalt  }
0x83: {  	_ =	shalt  }
0x84: {  	_ =	shalt  }
0x85: {  	_ =	shalt  }
0x86: {  	_ =	shalt  }
0x87: {  	_ =	shalt  }
.Lfunc_end0:
.L_simem_size_0:
called_computation.1_lowered:
.L_overlay_start_0:
0x88: {  	s2 =	sld [smem:$0x3FD9]  }
0x89: {  	s3 =	sld [smem:$0x3FFE];
	_ =	sdelay $0x1  }
0x8a: {  	s1 =	srdreg.scid  }
0x8b: {  	s0 =	sand.u32 $0x1, s1  }
0x8c: {  	s17 =	sshll.u32 s0, $0xA;
	s2 =	sadd.s32 s3, s2  }
0x8d: {  	s2 =	sadd.s32 s2, s17  }
0x8e: {  	[smem:$0x3FC2] =	sst s2  }
0x8f: {  	_ = 	snop  }
0x90: {  	s2 =	sld [smem:$0x3FD0];
	(tm) =	ssettm $0x1  }
0x91: {  	s18 =	sld [smem:$0x3FFB];
	_ =	sdelay $0x3  }
0x92: {  	_ =	strace s18  }
0x93: {  	s3 =	sld [smem:$0x3FFC];
	_ =	sdelay $0x3  }
0x94: {  	_ =	strace s3  }
0x95: {  	s3 =	sld [smem:$0x3FFD];
	_ =	sdelay $0x3  }
0x96: {  	_ =	strace s3  }
0x97: {  	_ =	strace $0x8FFFFFFF  }
0x98: {  	s19 =	sld [smem:$0x3FDB];
	_ =	sdelay $0x1  }
0x99: {  	s4 =	simm.s32 $_scs_section_size  }
0x9a: {  	s5 =	simm.s32 $_size__tile_overlayer_lowered;
	s6 =	simm.s32 $_tile_overlayer_lowered  }
0x9b: {  	s22 =	simm.s32 $0x1BFF;
	s21 =	sshll.u32 s6, $0x1;
	s3 =	sadd.s32 s4, s19  }
0x9c: {  	s7 =	simm.s32 $0x0;
	s20 =	sshll.u32 s5, $0x1;
	s5 =	sadd.s32 s21, s3  }
0x9d: {  	[timem:s7], [sflag:s22] =	dma.local [hbm:s5], s20  }
0x9e: {  	_ =	swait.ge [sflag:s22], s20  }
0x9f: {  	s4 =	ssub.s32 $0x0, s20;
	[sflag:s22] =	ssyncset.done $0x0  }
0xa0: {  	[sflag:s22] =	ssyncadd.s32 s4;
	_ =	sdelay $0x1  }
0xa1: {  	s23 =	simm.s32 $0x1B8B  }
0xa2: {  	_ =	swait.ge [sflag:s23], $0x1  }
0xa3: {  	[sflag:s23] =	ssyncset.done $0x0  }
0xa4: {  	s25 =	simm.s32 $0x1B8E;
	s24 =	sld [smem:$0x3FFE];
	[sflag:s23] =	ssyncadd.s32 $0xFFFFFFFF  }
0xa5: {  	s26 =	simm.s32 $execute0_lowered;
	[smem:$0x3FD2] =	sst s25  }
0xa6: {  	s5 =	sshll.u32 s26, $0x1;
	_ =	strace $0x80000049;
	[dreg:$0x1] =	wrdreg $0xFFFFFFFF  }
0xa7: {  	s28 =	simm.s32 $_size_execute0_lowered;
	s3 =	sadd.s32 s3, s5;
	[dreg:$0x0] =	wrdreg $0x0  }
0xa8: {  	s5 =	sshll.u32 s28, $0x1;
	[dreg:$0x2] =	wrdreg s3  }
0xa9: {  	[dreg:$0x3] =	wrdreg s5  }
0xaa: {  	[dreg:$0x4] =	wrdreg $0xC0  }
0xab: {  	_ =	task [dreg:s7], $0x5FFFF  }
0xac: {  	[dreg:$0x1] =	wrdreg $0xFFFFFFFF  }
0xad: {  	[dreg:$0x0] =	wrdreg $0x60  }
0xae: {  	[dreg:$0x2] =	wrdreg s24  }
0xaf: {  	[dreg:$0x3] =	wrdreg s2  }
0xb0: {  	[dreg:$0x4] =	wrdreg $0xA8000  }
0xb1: {  	[dreg:$0x5] =	wrdreg $0x9  }
0xb2: {  	_ =	task.clear_ibuf [dreg:s7], $0x6FFFF;
	_ =	strace $0x90000049  }
0xb3: {  	s29 =	simm.s32 $0x9;
	_ =	strace $0x8000004B  }
0xb4: {  	_ =	swait.ge [sflag:s29], $0x1  }
0xb5: {  	[sflag:s29] =	ssyncadd.s32 $0xFFFFFFFF  }
0xb6: {  	_ =	strace $0x9000004B  }
0xb7: {  	_ =	sfence  }
0xb8: {  	s30 =	sld [smem:$0x0];
	_ =	sdelay $0x2  }
0xb9: {  	s31 =	sshll.u32 s1, $0xD;
	s1 =	sshrl.u32 s1, $0x2  }
0xba: {  	s3 =	sand.u32 $0x4000, s31;
	s1 =	sadd.s32 s1, s30  }
0xbb: {  	s0 =	sor.u32 s3, s0;
	s1 =	sshll.u32 s1, $0x11  }
0xbc: {  	s0 =	sor.u32 s1, s0  }
0xbd: {  	s0 =	sadd.s32 $0x8F2B, s0  }
0xbe: {  	[sflag:s0] =	ssyncadd.remote.s32 $0x1  }
0xbf: {  	_ =	sfence.sel $0xFFFF  }
0xc0: {  	[dreg:$0x0] =	wrdreg $0xFFFFFFFF;
	(pc) =	sbr.abs _section_cstart, $3  }
0xc1: {  	[dreg:$0x1] =	wrdreg $0xFFFFFFFF  }
0xc2: {  	_ =	task.clear_ibuf [dreg:s7], $0x2FFFF;
	_ =	strace $0x9FFFFFFF  }
0xc3: {  	(tm) =	ssettm $0x7FFFFFFF  }
tec
execute0_lowered:
.L_overlay_start_1:
0x0: {  	(tag) =	ssettag $0x1  }
0x1: {  	s6 =	rddreg [dreg:$0x0]  }
0x2: {  	s7 =	rddreg [dreg:$0x1]  }
0x3: {  	s2 =	rddreg [dreg:$0x2]  }
0x4: {  	s0 =	rddreg [dreg:$0x3]  }
0x5: {  	s3 =	simm.s32 $0x0;
	s1 =	stileid.u32;
	s8 =	srdreg.scid  }
0x6: {  	s15 =	simm.s32 $0x1400;
	s16 =	simm.s32 $0x80;
	s17 =	simm.s32 $0x2800  }
0x7: {  	s18 =	simm.s32 $0x6800;
	s19 =	simm.s32 $0x1;
	s20 =	simm.s32 $0x2  }
0x8: {  	s21 =	simm.s32 $0x0;
	[smem:$0x7FF] =	sst s3;
	s5 =	smul.u32 $0x2800, s1  }
0x9: {  	s4 =	sadd.s32 $0x60A00, s6;
	s8 =	sand.u32 $0x1, s8;
	s9 =	smul.u32 $0x2780, s1  }
0xa: {  	s13 =	smul.u32 $0x4F000, s1;
	s31 =	sshll.u32 s1, $0x6;
	_ =	strace $0x8000004A  }
0xb: {  	s10 =	smul.u32 $0x2AF80, s8;
	s11 =	sshll.u32 s8, $0x4;
	s8 =	ssub.s32 $0x2, s8  }
0xc: {  	s5 =	sshrl.u32 s5, $0x3;
	s24 =	sor.u32 s1, s11;
	s28 =	sshrl.u32 s8, $0x1  }
0xd: {  	s29 =	sshrl.u32 s13, $0x2;
	s12 =	sadd.s32 s5, s6;
	s9 =	sadd.s32 s9, s10  }
0xe: {  	s25 =	smul.u32 $0x2800, s24;
	s5 =	sadd.s32 $0x8200, s6;
	s14 =	ssub.s32 s8, s28  }
0xf: {  	s13 =	sadd.s32 s29, s2;
	s26 =	sadd.s32 s9, s6;
	s8 =	sadd.s32 $0x2A00, s12  }
0x10: {  	s10 =	sadd.s32 $0x2C80, s12;
	s12 =	smax.u32 s14, $0x1;
	s30 =	sshrl.u32 s25, $0x3  }
0x11: {  	s13 =	sshrl.u32 s13, $0x3;
	s14 =	simm.s32 $0x3;
	s6 =	sadd.s32 s7, s30  }
0x12: {  	s11 =	sadd.s32 $0xB6A00, s26;
	s7 =	sor.u32 $0x1C03, s31;
	s9 =	sadd.s32 $0x280, s6  }
.LBB2_1:
0x13: {  	[spmem:s13], [sflag:s7] =	dma.local [hbm:s5], $0x2780  }
0x14: {  	_ =	swait.ge [sflag:s14], $0x2780  }
0x15: {  	[sflag:s14] =	ssyncset.done $0x0  }
0x16: {  	[sflag:s14] =	ssyncadd.s32 $0xFFFFD880  }
0x17: {  	[bflag:$0x0] =	sbarrier.arrive $0xFFFF  }
0x18: {  	[tilespmem:s3], [sflag:$0x3] =	stream.linear.gather [hbm4b:s6+s3], $0x1400, $0x38;
	[tilespmem:$0x1E400] =	vst v63  }
0x19: {  	_ =	swait.ge [sflag:s14], $0x1400  }
0x1a: {  	[sflag:s14] =	ssyncset.done $0x0  }
0x1b: {  	[sflag:s14] =	ssyncadd.s32 $0xFFFFEC00  }
0x1c: {  	[tilespmem:s15], [sflag:$0x3] =	stream.linear.gather [hbm4b:s8+s3], $0x1400, $0x38;
	[tilespmem:$0x1E400] =	vst v63  }
0x1d: {  	_ =	swait.ge [sflag:s14], $0x1400  }
0x1e: {  	[sflag:s14] =	ssyncset.done $0x0  }
0x1f: {  	s22 =	simm.s32 $0x0;
	[sflag:s14] =	ssyncadd.s32 $0xFFFFEC00  }
0x20: {  	[tilespmem:s17], [sflag:$0x1] =	stream.indirect.gather [hbm4b:s4+s16], $0x80, s22, s16, $0xb8;
	[tilespmem:$0x1E400] =	vst v63  }
0x21: {  	s29 =	simm.s32 $0x80  }
0x22: {  	[tilespmem:s18], [sflag:$0x1] =	stream.indirect.gather [hbm4b:s4+s16], $0x80, s29, s16, $0xb8;
	[tilespmem:$0x1E400] =	vst v63  }
0x23: {  	_ =	swait.ge [sflag:s19], $0x4000  }
0x24: {  	[sflag:s19] =	ssyncset.done $0x0  }
0x25: {  	s30 =	simm.s32 $0x1400;
	[sflag:s19] =	ssyncadd.s32 $0xFFFFC000  }
0x26: {  	[spmem:s2] =	stream.indirect.scatter.add.f32 [tilespmem:s17], [sflag:$0x2], $0x80, s30, s16, $0xb8;
	[tilespmem:$0x1E400] =	vst v63  }
0x27: {  	_ =	swait.ge [sflag:s19], $0x4000  }
0x28: {  	[sflag:s19] =	ssyncset.done $0x0  }
0x29: {  	s31 =	simm.s32 $0x1480;
	[sflag:s19] =	ssyncadd.s32 $0xFFFFC000  }
0x2a: {  	[spmem:s2] =	stream.indirect.scatter.add.f32 [tilespmem:s18], [sflag:$0x2], $0x80, s31, s16, $0xb8;
	[tilespmem:$0x1E400] =	vst v63  }
0x2b: {  	_ =	swait.ge [sflag:s20], $0x4000  }
0x2c: {  	[sflag:s20] =	ssyncset.done $0x0  }
0x2d: {  	[sflag:s20] =	ssyncadd.s32 $0xFFFFC000  }
0x2e: {  	_ =	swait.ge [sflag:s20], $0x4000  }
0x2f: {  	s23 =	simm.s32 $0x800;
	s22 =	simm.s32 $0x400;
	[sflag:s20] =	ssyncset.done $0x0  }
.LBB2_2:
0x30: {  	s24 =	sshra.s32 s22, $0x2  }
0x31: {  	[sflag:s20] =	ssyncadd.s32 $0xFFFFC000;
	s22 =	smov.u32 s23;
	s25 =	sadd.s32 $0x400, s23  }
0x32: {  	[tilespmem:s17], [sflag:$0x1] =	stream.indirect.gather [hbm4b:s4+s16], $0x80, s24, s16, $0xb8;
	[tilespmem:$0x1E400] =	vst v63  }
0x33: {  	p0 =	sne.s32 s23, $0x4C00;
	s23 =	sadd.s32 $0x80, s24  }
0x34: {  	[tilespmem:s18], [sflag:$0x1] =	stream.indirect.gather [hbm4b:s4+s16], $0x80, s23, s16, $0xb8;
	[tilespmem:$0x1E400] =	vst v63  }
0x35: {  	_ =	swait.ge [sflag:s19], $0x4000  }
0x36: {  	[sflag:s19] =	ssyncset.done $0x0  }
0x37: {  	s23 =	sadd.s32 $0x1400, s24;
	[sflag:s19] =	ssyncadd.s32 $0xFFFFC000  }
0x38: {  	[spmem:s2] =	stream.indirect.scatter.add.f32 [tilespmem:s17], [sflag:$0x2], $0x80, s23, s16, $0xb8;
	[tilespmem:$0x1E400] =	vst v63  }
0x39: {  	_ =	swait.ge [sflag:s19], $0x4000  }
0x3a: {  	[sflag:s19] =	ssyncset.done $0x0  }
0x3b: {  	s23 =	sadd.s32 $0x1480, s24;
	[sflag:s19] =	ssyncadd.s32 $0xFFFFC000  }
0x3c: {  	[spmem:s2] =	stream.indirect.scatter.add.f32 [tilespmem:s18], [sflag:$0x2], $0x80, s23, s16, $0xb8;
	[tilespmem:$0x1E400] =	vst v63  }
.Ltmp0:
0x3d: {  	_ =	swait.ge [sflag:s20], $0x4000;
	(pc) =	sbr.rel @p0 .LBB2_2-.Ltmp0, $4  }
0x3e: {  	[sflag:s20] =	ssyncset.done $0x0  }
0x3f: {  	[sflag:s20] =	ssyncadd.s32 $0xFFFFC000  }
0x40: {  	_ =	swait.ge [sflag:s20], $0x4000  }
0x41: {  	s23 =	smov.u32 s25;
	[sflag:s20] =	ssyncset.done $0x0  }
0x42: {  	s22 =	sshra.s32 s22, $0x2;
	[sflag:s20] =	ssyncadd.s32 $0xFFFFC000  }
0x43: {  	[tilespmem:s17], [sflag:$0x1] =	stream.indirect.gather [hbm4b:s4+s16], $0x80, s22, s16, $0xb8;
	[tilespmem:$0x1E400] =	vst v63  }
0x44: {  	s23 =	sadd.s32 $0x80, s22  }
0x45: {  	[tilespmem:s18], [sflag:$0x1] =	stream.indirect.gather [hbm4b:s4+s16], $0x80, s23, s16, $0xb8;
	[tilespmem:$0x1E400] =	vst v63  }
0x46: {  	_ =	swait.ge [sflag:s19], $0x4000  }
0x47: {  	[sflag:s19] =	ssyncset.done $0x0  }
0x48: {  	s25 =	sadd.s32 $0x1400, s22;
	[sflag:s19] =	ssyncadd.s32 $0xFFFFC000  }
0x49: {  	[spmem:s2] =	stream.indirect.scatter.add.f32 [tilespmem:s17], [sflag:$0x2], $0x80, s25, s16, $0xb8;
	[tilespmem:$0x1E400] =	vst v63  }
0x4a: {  	_ =	swait.ge [sflag:s19], $0x4000  }
0x4b: {  	[sflag:s19] =	ssyncset.done $0x0  }
0x4c: {  	s22 =	sadd.s32 $0x1480, s22;
	[sflag:s19] =	ssyncadd.s32 $0xFFFFC000  }
0x4d: {  	[spmem:s2] =	stream.indirect.scatter.add.f32 [tilespmem:s18], [sflag:$0x2], $0x80, s22, s16, $0xb8;
	[tilespmem:$0x1E400] =	vst v63  }
0x4e: {  	_ =	swait.ge [sflag:s20], $0x4000  }
0x4f: {  	[sflag:s20] =	ssyncset.done $0x0  }
0x50: {  	[sflag:s20] =	ssyncadd.s32 $0xFFFFC000  }
0x51: {  	_ =	swait.ge [sflag:s20], $0x4000  }
0x52: {  	[sflag:s20] =	ssyncset.done $0x0  }
0x53: {  	s26 =	simm.s32 $0x0;
	[sflag:s20] =	ssyncadd.s32 $0xFFFFC000  }
0x54: {  	[tilespmem:s26], [sflag:$0x3] =	stream.linear.gather [hbm4b:s9+s26], $0x1400, $0x38;
	[tilespmem:$0x1E400] =	vst v63  }
0x55: {  	_ =	swait.ge [sflag:s14], $0x1400  }
0x56: {  	[sflag:s14] =	ssyncset.done $0x0  }
0x57: {  	[sflag:s14] =	ssyncadd.s32 $0xFFFFEC00  }
0x58: {  	[tilespmem:s15], [sflag:$0x3] =	stream.linear.gather [hbm4b:s10+s26], $0x1400, $0x38;
	[tilespmem:$0x1E400] =	vst v63  }
0x59: {  	_ =	swait.ge [sflag:s14], $0x1400  }
0x5a: {  	[sflag:s14] =	ssyncset.done $0x0  }
0x5b: {  	s28 =	simm.s32 $0x0;
	[sflag:s14] =	ssyncadd.s32 $0xFFFFEC00  }
0x5c: {  	[tilespmem:s17], [sflag:$0x1] =	stream.indirect.gather [hbm4b:s4+s16], $0x80, s28, s16, $0xb8;
	[tilespmem:$0x1E400] =	vst v63  }
0x5d: {  	s29 =	simm.s32 $0x80  }
0x5e: {  	[tilespmem:s18], [sflag:$0x1] =	stream.indirect.gather [hbm4b:s4+s16], $0x80, s29, s16, $0xb8;
	[tilespmem:$0x1E400] =	vst v63  }
0x5f: {  	_ =	swait.ge [sflag:s19], $0x4000  }
0x60: {  	[sflag:s19] =	ssyncset.done $0x0  }
0x61: {  	s30 =	simm.s32 $0x1400;
	[sflag:s19] =	ssyncadd.s32 $0xFFFFC000  }
0x62: {  	[spmem:s2] =	stream.indirect.scatter.add.f32 [tilespmem:s17], [sflag:$0x2], $0x80, s30, s16, $0xb8;
	[tilespmem:$0x1E400] =	vst v63  }
0x63: {  	_ =	swait.ge [sflag:s19], $0x4000  }
0x64: {  	[sflag:s19] =	ssyncset.done $0x0  }
0x65: {  	s31 =	simm.s32 $0x1480;
	[sflag:s19] =	ssyncadd.s32 $0xFFFFC000  }
0x66: {  	[spmem:s2] =	stream.indirect.scatter.add.f32 [tilespmem:s18], [sflag:$0x2], $0x80, s31, s16, $0xb8;
	[tilespmem:$0x1E400] =	vst v63  }
0x67: {  	_ =	swait.ge [sflag:s20], $0x4000  }
0x68: {  	[sflag:s20] =	ssyncset.done $0x0  }
0x69: {  	[sflag:s20] =	ssyncadd.s32 $0xFFFFC000  }
0x6a: {  	_ =	swait.ge [sflag:s20], $0x4000  }
0x6b: {  	s23 =	simm.s32 $0x800;
	s22 =	simm.s32 $0x400;
	[sflag:s20] =	ssyncset.done $0x0  }
.LBB2_4:
0x6c: {  	s24 =	sshra.s32 s22, $0x2  }
0x6d: {  	[sflag:s20] =	ssyncadd.s32 $0xFFFFC000;
	s22 =	smov.u32 s23;
	s25 =	sadd.s32 $0x400, s23  }
0x6e: {  	[tilespmem:s17], [sflag:$0x1] =	stream.indirect.gather [hbm4b:s4+s16], $0x80, s24, s16, $0xb8;
	[tilespmem:$0x1E400] =	vst v63  }
0x6f: {  	p0 =	sne.s32 s23, $0x4C00;
	s23 =	sadd.s32 $0x80, s24  }
0x70: {  	[tilespmem:s18], [sflag:$0x1] =	stream.indirect.gather [hbm4b:s4+s16], $0x80, s23, s16, $0xb8;
	[tilespmem:$0x1E400] =	vst v63  }
0x71: {  	_ =	swait.ge [sflag:s19], $0x4000  }
0x72: {  	[sflag:s19] =	ssyncset.done $0x0  }
0x73: {  	s23 =	sadd.s32 $0x1400, s24;
	[sflag:s19] =	ssyncadd.s32 $0xFFFFC000  }
0x74: {  	[spmem:s2] =	stream.indirect.scatter.add.f32 [tilespmem:s17], [sflag:$0x2], $0x80, s23, s16, $0xb8;
	[tilespmem:$0x1E400] =	vst v63  }
0x75: {  	_ =	swait.ge [sflag:s19], $0x4000  }
0x76: {  	[sflag:s19] =	ssyncset.done $0x0  }
0x77: {  	s23 =	sadd.s32 $0x1480, s24;
	[sflag:s19] =	ssyncadd.s32 $0xFFFFC000  }
0x78: {  	[spmem:s2] =	stream.indirect.scatter.add.f32 [tilespmem:s18], [sflag:$0x2], $0x80, s23, s16, $0xb8;
	[tilespmem:$0x1E400] =	vst v63  }
.Ltmp1:
0x79: {  	_ =	swait.ge [sflag:s20], $0x4000;
	(pc) =	sbr.rel @p0 .LBB2_4-.Ltmp1, $4  }
0x7a: {  	[sflag:s20] =	ssyncset.done $0x0  }
0x7b: {  	[sflag:s20] =	ssyncadd.s32 $0xFFFFC000  }
0x7c: {  	_ =	swait.ge [sflag:s20], $0x4000  }
0x7d: {  	s23 =	smov.u32 s25;
	[sflag:s20] =	ssyncset.done $0x0  }
0x7e: {  	s22 =	sshra.s32 s22, $0x2;
	[sflag:s20] =	ssyncadd.s32 $0xFFFFC000  }
0x7f: {  	[tilespmem:s17], [sflag:$0x1] =	stream.indirect.gather [hbm4b:s4+s16], $0x80, s22, s16, $0xb8;
	[tilespmem:$0x1E400] =	vst v63  }
0x80: {  	s23 =	sadd.s32 $0x80, s22  }
0x81: {  	[tilespmem:s18], [sflag:$0x1] =	stream.indirect.gather [hbm4b:s4+s16], $0x80, s23, s16, $0xb8;
	[tilespmem:$0x1E400] =	vst v63  }
0x82: {  	_ =	swait.ge [sflag:s19], $0x4000  }
0x83: {  	[sflag:s19] =	ssyncset.done $0x0  }
0x84: {  	s31 =	sadd.s32 $0x1400, s22;
	[sflag:s19] =	ssyncadd.s32 $0xFFFFC000  }
0x85: {  	[spmem:s2] =	stream.indirect.scatter.add.f32 [tilespmem:s17], [sflag:$0x2], $0x80, s31, s16, $0xb8;
	[tilespmem:$0x1E400] =	vst v63  }
0x86: {  	_ =	swait.ge [sflag:s19], $0x4000  }
0x87: {  	[sflag:s19] =	ssyncset.done $0x0  }
0x88: {  	s22 =	sadd.s32 $0x1480, s22;
	[sflag:s19] =	ssyncadd.s32 $0xFFFFC000  }
0x89: {  	[spmem:s2] =	stream.indirect.scatter.add.f32 [tilespmem:s18], [sflag:$0x2], $0x80, s22, s16, $0xb8;
	[tilespmem:$0x1E400] =	vst v63  }
0x8a: {  	_ =	swait.ge [sflag:s20], $0x4000  }
0x8b: {  	[sflag:s20] =	ssyncset.done $0x0  }
0x8c: {  	[sflag:s20] =	ssyncadd.s32 $0xFFFFC000  }
0x8d: {  	_ =	swait.ge [sflag:s20], $0x4000  }
0x8e: {  	s21 =	sadd.s32 $0x1, s21;
	[sflag:s20] =	ssyncset.done $0x0  }
0x8f: {  	p0 =	sne.s32 s21, s12;
	[sflag:s20] =	ssyncadd.s32 $0xFFFFC000  }
.Ltmp2:
0x90: {  	[bflag:$0x0] =	sbarrier.arrive $0xFFFF;
	(pc) =	sbr.rel @p0 .LBB2_1-.Ltmp2, $4  }
0x91: {  	[hbm:s11], [sflag:s7] =	dma.local [spmem:s13], $0x2780  }
0x92: {  	_ =	swait.ge [sflag:s14], $0x2780  }
0x93: {  	[sflag:s14] =	ssyncset.done $0x0  }
0x94: {  	[sflag:s14] =	ssyncadd.s32 $0xFFFFD880  }
0x95: {  	_ =	sfence.sel $0x180000  }
0x96: {  	[bflag:$0x0] =	sbarrier.arrive $0xFFFF  }
0x97: {  	p0 =	sne.s32 s1, $0x0;
	_ =	strace $0x9000004A  }
0x98: {  	s0 =	sadd.s32 @!p0 $0x100000, s0;
	[bflag:$0x2] =	sbarrier.arrive $0xFFFF  }
0x99: {  	[sflag:s0] =	ssyncadd.tile.s32 @!p0 $0x1;
	_ =	shalt  }
.Lfunc_end2:
_tile_overlayer_lowered:
.L_overlay_start_2:
0x9a: {  	(tag) =	ssettag $0x2  }
0x9b: {  	s0 =	rddreg [dreg:$0x0];
	s2 =	stileid.u32  }
0x9c: {  	s1 =	rddreg [dreg:$0x1];
	p0 =	sne.s32 s2, $0x0  }
0x9d: {  	s3 =	rddreg [dreg:$0x2];
	[bflag:$0x3] =	sbarrier.arrive $0xFFFF;
	s2 =	simm.s32 @!p0 $0x1C03  }
0x9e: {  	[timem:s3], [sflag:s2] =	dma.local @!p0 [hbm:s0], s1  }
0x9f: {  	s0 =	simm.s32 @!p0 $0x3  }
0xa0: {  	_ =	swait.ge @!p0 [sflag:s0], s1  }
0xa1: {  	s1 =	ssub.s32 @!p0 $0x0, s1;
	[sflag:s0] =	ssyncset.done @!p0 $0x0  }
0xa2: {  	[sflag:s0] =	ssyncadd.s32 @!p0 s1  }
0xa3: {  	[bflag:$0x3] =	sbarrier.arrive $0xFFFF  }
0xa4: {  	_ =	shalt  }

// kernel: kernel.14.cloned.1.call-start
scs
__scs_entry_jumppad:
0x0: {  	(pc) =	sbr.rel $0x88, $3  }
0x1: {  	(tag) =	ssettag $0x0;
	lr =	simm.s32 $0x1  }
0x2: {  	[smem:$0x3F9B] =	sst lr;
	_ =	strace $0xD0000000  }
0x3: {  	_ = 	snop  }
0x4: {  	_ = 	snop  }
0x5: {  	_ = 	snop  }
0x6: {  	_ = 	snop  }
0x7: {  	_ = 	snop  }
__scs_overlays_trampoline_lowered:
0x8: {  	[smem:$0x3FAA] =	sst s0  }
0x9: {  	[smem:$0x3FAB] =	sst s1  }
0xa: {  	[smem:$0x3FAC] =	sst s2  }
0xb: {  	[smem:$0x3FAD] =	sst s3  }
0xc: {  	[smem:$0x3FAE] =	sst s4  }
0xd: {  	[smem:$0x3FAF] =	sst s5  }
0xe: {  	[smem:$0x3FB0] =	sst s6  }
0xf: {  	[smem:$0x3FB1] =	sst s7  }
0x10: {  	[smem:$0x3FB2] =	sst s8  }
0x11: {  	[smem:$0x3FB3] =	sst s9;
	s0 =	simm.s32 @!p0 $0x0  }
0x12: {  	s1 =	sld [smem:$0x3F99];
	s0 =	simm.s32 @p0 $0x1  }
0x13: {  	[smem:$0x3FB4] =	sst s0;
	s0 =	simm.s32 @!p1 $0x0  }
0x14: {  	s2 =	sld [smem:$0x3F98];
	s0 =	simm.s32 @p1 $0x1  }
0x15: {  	[smem:$0x3FB5] =	sst s0;
	s0 =	simm.s32 @!p2 $0x0  }
0x16: {  	s3 =	sld [smem:$0x3FDB];
	s0 =	simm.s32 @p2 $0x1  }
0x17: {  	s4 =	simm.s32 $0x1BF5;
	[smem:$0x3FB7] =	sst s0  }
0x18: {  	s0 =	sld [smem:$0x3F9A];
	_ =	swait.ge [sflag:s4], $0x0  }
0x19: {  	s7 =	sld [smem:$0x3F9B]  }
0x1a: {  	s8 =	sadd.s32 $0xFFFFE003, lr  }
0x1b: {  	s9 =	sadd.s32 $0xFFFFFEF7, lr;
	s5 =	simm.s32 $0xFFFFFFFF;
	p2 =	slt.u32 s8, $0xFFFFF086  }
0x1c: {  	p1 =	slt.u32 s9, $0xF7A;
	s5 =	simm.s32 @!p2 $0x0  }
0x1d: {  	s5 =	simm.s32 @p1 $0x1;
	p0 =	seq.s32 s7, s2  }
0x1e: {  	s7 =	smul.u32 @!p0 $0xF7A, s2;
	p2 =	seq.s32 @!p0 s5, $0x0  }
0x1f: {  	s9 =	smul.u32 $0xF7A, s1;
	s8 =	simm.s32 @!p0 $0x1BF5;
	p2 =	por !p2, p0  }
0x20: {  	[sflag:s8] =	ssyncset.s32 @!p0 $0xFFFFF086;
	s6 =	sadd.s32 @!p0 s3, s7;
	s7 =	simm.s32 @!p0 $0x108  }
0x21: {  	s3 =	sadd.s32 s3, s9;
	s6 =	sadd.s32 @!p0 $0x88, s6;
	s7 =	simm.s32 @p2 $0x1082  }
0x22: {  	[simem:s7], [sflag:s8] =	dma.local @!p0 [hbm:s6], $0xF7A  }
0x23: {  	s9 =	sor.u32 $0xD0000000, s2;
	s6 =	simm.s32 $0x108;
	_ =	swait.ge @!p0 [sflag:s8], $0x0  }
0x24: {  	s3 =	sadd.s32 $0x88, s3;
	s6 =	simm.s32 @!p1 $0x1082;
	[sflag:s4] =	ssyncset.s32 $0xFFFFF086  }
0x25: {  	[simem:s6], [sflag:s4] =	dma.local [hbm:s3], $0xF7A  }
0x26: {  	[smem:$0x3F9B] =	sst s1;
	(tag) =	ssettag s2;
	_ =	strace s9  }
0x27: {  	s1 =	sld [smem:$0x3FAB]  }
0x28: {  	s2 =	sld [smem:$0x3FAC]  }
0x29: {  	s4 =	sld [smem:$0x3FAE]  }
0x2a: {  	p0 =	seq.s32 s5, $0x0;
	s5 =	sld [smem:$0x3FAF]  }
0x2b: {  	s6 =	sld [smem:$0x3FB0]  }
0x2c: {  	s7 =	sld [smem:$0x3FB1]  }
0x2d: {  	s3 =	simm.s32 $0x108;
	s8 =	sld [smem:$0x3FB2]  }
0x2e: {  	s3 =	simm.s32 @!p0 $0x1082;
	s9 =	sld [smem:$0x3FB3]  }
0x2f: {  	lr =	sadd.s32 s0, s3;
	s0 =	sld [smem:$0x3FAA]  }
0x30: {  	s3 =	sld [smem:$0x3FAD]  }
0x31: {  	[smem:$0x3FB6] =	sst s10  }
0x32: {  	s10 =	sld [smem:$0x3FB4];
	_ =	sdelay $0x3  }
0x33: {  	p0 =	seq.s32 s10, $0x1;
	s10 =	sld [smem:$0x3FB6];
	_ =	sdelay $0x3  }
0x34: {  	[smem:$0x3FB6] =	sst s10  }
0x35: {  	s10 =	sld [smem:$0x3FB5];
	_ =	sdelay $0x3  }
0x36: {  	p1 =	seq.s32 s10, $0x1;
	s10 =	sld [smem:$0x3FB6];
	_ =	sdelay $0x3  }
0x37: {  	[smem:$0x3FB6] =	sst s10  }
0x38: {  	s10 =	sld [smem:$0x3FB7]  }
0x39: {  	_ = 	snop;
	(pc) =	sbr.ind lr, $3  }
0x3a: {  	_ = 	snop  }
0x3b: {  	_ = 	snop  }
0x3c: {  	p2 =	seq.s32 s10, $0x1;
	s10 =	sld [smem:$0x3FB6]  }
0x3d: {  	_ =	shalt  }
0x3e: {  	_ =	shalt  }
0x3f: {  	_ =	shalt  }
0x40: {  	_ =	shalt  }
0x41: {  	_ =	shalt  }
0x42: {  	_ =	shalt  }
0x43: {  	_ =	shalt  }
0x44: {  	_ =	shalt  }
0x45: {  	_ =	shalt  }
0x46: {  	_ =	shalt  }
0x47: {  	_ =	shalt  }
0x48: {  	_ =	shalt  }
0x49: {  	_ =	shalt  }
0x4a: {  	_ =	shalt  }
0x4b: {  	_ =	shalt  }
0x4c: {  	_ =	shalt  }
0x4d: {  	_ =	shalt  }
0x4e: {  	_ =	shalt  }
0x4f: {  	_ =	shalt  }
0x50: {  	_ =	shalt  }
0x51: {  	_ =	shalt  }
0x52: {  	_ =	shalt  }
0x53: {  	_ =	shalt  }
0x54: {  	_ =	shalt  }
0x55: {  	_ =	shalt  }
0x56: {  	_ =	shalt  }
0x57: {  	_ =	shalt  }
0x58: {  	_ =	shalt  }
0x59: {  	_ =	shalt  }
0x5a: {  	_ =	shalt  }
0x5b: {  	_ =	shalt  }
0x5c: {  	_ =	shalt  }
0x5d: {  	_ =	shalt  }
0x5e: {  	_ =	shalt  }
0x5f: {  	_ =	shalt  }
0x60: {  	_ =	shalt  }
0x61: {  	_ =	shalt  }
0x62: {  	_ =	shalt  }
0x63: {  	_ =	shalt  }
0x64: {  	_ =	shalt  }
0x65: {  	_ =	shalt  }
0x66: {  	_ =	shalt  }
0x67: {  	_ =	shalt  }
0x68: {  	_ =	shalt  }
0x69: {  	_ =	shalt  }
0x6a: {  	_ =	shalt  }
0x6b: {  	_ =	shalt  }
0x6c: {  	_ =	shalt  }
0x6d: {  	_ =	shalt  }
0x6e: {  	_ =	shalt  }
0x6f: {  	_ =	shalt  }
0x70: {  	_ =	shalt  }
0x71: {  	_ =	shalt  }
0x72: {  	_ =	shalt  }
0x73: {  	_ =	shalt  }
0x74: {  	_ =	shalt  }
0x75: {  	_ =	shalt  }
0x76: {  	_ =	shalt  }
0x77: {  	_ =	shalt  }
0x78: {  	_ =	shalt  }
0x79: {  	_ =	shalt  }
0x7a: {  	_ =	shalt  }
0x7b: {  	_ =	shalt  }
0x7c: {  	_ =	shalt  }
0x7d: {  	_ =	shalt  }
0x7e: {  	_ =	shalt  }
0x7f: {  	_ =	shalt  }
0x80: {  	_ =	shalt  }
0x81: {  	_ =	shalt  }
0x82: {  	_ =	shalt  }
0x83: {  	_ =	shalt  }
0x84: {  	_ =	shalt  }
0x85: {  	_ =	shalt  }
0x86: {  	_ =	shalt  }
0x87: {  	_ =	shalt  }
.Lfunc_end0:
.L_simem_size_0:
called_computation.2_lowered:
.L_overlay_start_0:
0x88: {  	s2 =	sld [smem:$0x3FD9]  }
0x89: {  	s3 =	sld [smem:$0x3FFE];
	_ =	sdelay $0x1  }
0x8a: {  	s1 =	srdreg.scid  }
0x8b: {  	s0 =	sand.u32 $0x1, s1  }
0x8c: {  	s17 =	sshll.u32 s0, $0xA;
	s2 =	sadd.s32 s3, s2  }
0x8d: {  	s2 =	sadd.s32 s2, s17  }
0x8e: {  	[smem:$0x3FC2] =	sst s2  }
0x8f: {  	_ = 	snop  }
0x90: {  	s2 =	sld [smem:$0x3FD0];
	(tm) =	ssettm $0x1  }
0x91: {  	s18 =	sld [smem:$0x3FFB];
	_ =	sdelay $0x3  }
0x92: {  	_ =	strace s18  }
0x93: {  	s3 =	sld [smem:$0x3FFC];
	_ =	sdelay $0x3  }
0x94: {  	_ =	strace s3  }
0x95: {  	s3 =	sld [smem:$0x3FFD];
	_ =	sdelay $0x3  }
0x96: {  	_ =	strace s3  }
0x97: {  	_ =	strace $0x8FFFFFFF  }
0x98: {  	s19 =	sld [smem:$0x3FDB];
	_ =	sdelay $0x1  }
0x99: {  	s4 =	simm.s32 $_scs_section_size  }
0x9a: {  	s5 =	simm.s32 $_size__tile_overlayer_lowered;
	s6 =	simm.s32 $_tile_overlayer_lowered  }
0x9b: {  	s22 =	simm.s32 $0x1BFF;
	s21 =	sshll.u32 s6, $0x1;
	s3 =	sadd.s32 s4, s19  }
0x9c: {  	s7 =	simm.s32 $0x0;
	s20 =	sshll.u32 s5, $0x1;
	s5 =	sadd.s32 s21, s3  }
0x9d: {  	[timem:s7], [sflag:s22] =	dma.local [hbm:s5], s20  }
0x9e: {  	_ =	swait.ge [sflag:s22], s20  }
0x9f: {  	s4 =	ssub.s32 $0x0, s20;
	[sflag:s22] =	ssyncset.done $0x0  }
0xa0: {  	[sflag:s22] =	ssyncadd.s32 s4;
	_ =	sdelay $0x1  }
0xa1: {  	s23 =	simm.s32 $0x1B8B  }
0xa2: {  	_ =	swait.ge [sflag:s23], $0x1  }
0xa3: {  	[sflag:s23] =	ssyncset.done $0x0  }
0xa4: {  	s25 =	simm.s32 $0x1B8E;
	s24 =	sld [smem:$0x3FFE];
	[sflag:s23] =	ssyncadd.s32 $0xFFFFFFFF  }
0xa5: {  	s26 =	simm.s32 $execute0_lowered;
	[smem:$0x3FD2] =	sst s25  }
0xa6: {  	s5 =	sshll.u32 s26, $0x1;
	_ =	strace $0x8000004C;
	[dreg:$0x1] =	wrdreg $0xFFFFFFFF  }
0xa7: {  	s28 =	simm.s32 $_size_execute0_lowered;
	s3 =	sadd.s32 s3, s5;
	[dreg:$0x0] =	wrdreg $0x0  }
0xa8: {  	s5 =	sshll.u32 s28, $0x1;
	[dreg:$0x2] =	wrdreg s3  }
0xa9: {  	[dreg:$0x3] =	wrdreg s5  }
0xaa: {  	[dreg:$0x4] =	wrdreg $0xC0  }
0xab: {  	_ =	task [dreg:s7], $0x5FFFF  }
0xac: {  	[dreg:$0x1] =	wrdreg $0xFFFFFFFF  }
0xad: {  	[dreg:$0x0] =	wrdreg $0x60  }
0xae: {  	[dreg:$0x2] =	wrdreg s24  }
0xaf: {  	[dreg:$0x3] =	wrdreg s2  }
0xb0: {  	[dreg:$0x4] =	wrdreg $0xA8000  }
0xb1: {  	[dreg:$0x5] =	wrdreg $0x9  }
0xb2: {  	_ =	task.clear_ibuf [dreg:s7], $0x6FFFF;
	_ =	strace $0x9000004C  }
0xb3: {  	s29 =	simm.s32 $0x9;
	_ =	strace $0x8000004E  }
0xb4: {  	_ =	swait.ge [sflag:s29], $0x1  }
0xb5: {  	[sflag:s29] =	ssyncadd.s32 $0xFFFFFFFF  }
0xb6: {  	_ =	strace $0x9000004E  }
0xb7: {  	_ =	sfence  }
0xb8: {  	s30 =	sld [smem:$0x0];
	_ =	sdelay $0x2  }
0xb9: {  	s31 =	sshll.u32 s1, $0xD;
	s1 =	sshrl.u32 s1, $0x2  }
0xba: {  	s3 =	sand.u32 $0x4000, s31;
	s1 =	sadd.s32 s1, s30  }
0xbb: {  	s0 =	sor.u32 s3, s0;
	s1 =	sshll.u32 s1, $0x11  }
0xbc: {  	s0 =	sor.u32 s1, s0  }
0xbd: {  	s0 =	sadd.s32 $0x8F2B, s0  }
0xbe: {  	[sflag:s0] =	ssyncadd.remote.s32 $0x1  }
0xbf: {  	_ =	sfence.sel $0xFFFF  }
0xc0: {  	[dreg:$0x0] =	wrdreg $0xFFFFFFFF;
	(pc) =	sbr.abs _section_cstart, $3  }
0xc1: {  	[dreg:$0x1] =	wrdreg $0xFFFFFFFF  }
0xc2: {  	_ =	task.clear_ibuf [dreg:s7], $0x2FFFF;
	_ =	strace $0x9FFFFFFF  }
0xc3: {  	(tm) =	ssettm $0x7FFFFFFF  }
tec
execute0_lowered:
.L_overlay_start_1:
0x0: {  	(tag) =	ssettag $0x1  }
0x1: {  	s6 =	rddreg [dreg:$0x0]  }
0x2: {  	s7 =	rddreg [dreg:$0x1]  }
0x3: {  	s2 =	rddreg [dreg:$0x2]  }
0x4: {  	s0 =	rddreg [dreg:$0x3]  }
0x5: {  	s3 =	simm.s32 $0x0;
	s1 =	stileid.u32;
	s8 =	srdreg.scid  }
0x6: {  	s15 =	simm.s32 $0x1400;
	s16 =	simm.s32 $0x80;
	s17 =	simm.s32 $0x2800  }
0x7: {  	s18 =	simm.s32 $0x6800;
	s19 =	simm.s32 $0x1;
	s20 =	simm.s32 $0x2  }
0x8: {  	s21 =	simm.s32 $0x0;
	[smem:$0x7FF] =	sst s3;
	s5 =	smul.u32 $0x2800, s1  }
0x9: {  	s4 =	sadd.s32 $0x60A00, s6;
	s8 =	sand.u32 $0x1, s8;
	s9 =	smul.u32 $0x2780, s1  }
0xa: {  	s13 =	smul.u32 $0x4F000, s1;
	s31 =	sshll.u32 s1, $0x6;
	_ =	strace $0x8000004D  }
0xb: {  	s10 =	smul.u32 $0x2AF80, s8;
	s11 =	sshll.u32 s8, $0x4;
	s8 =	ssub.s32 $0x2, s8  }
0xc: {  	s5 =	sshrl.u32 s5, $0x3;
	s24 =	sor.u32 s1, s11;
	s28 =	sshrl.u32 s8, $0x1  }
0xd: {  	s29 =	sshrl.u32 s13, $0x2;
	s12 =	sadd.s32 s5, s6;
	s9 =	sadd.s32 s9, s10  }
0xe: {  	s25 =	smul.u32 $0x2800, s24;
	s5 =	sadd.s32 $0x8200, s6;
	s14 =	ssub.s32 s8, s28  }
0xf: {  	s13 =	sadd.s32 s29, s2;
	s26 =	sadd.s32 s9, s6;
	s8 =	sadd.s32 $0x2A00, s12  }
0x10: {  	s10 =	sadd.s32 $0x2C80, s12;
	s12 =	smax.u32 s14, $0x1;
	s30 =	sshrl.u32 s25, $0x3  }
0x11: {  	s13 =	sshrl.u32 s13, $0x3;
	s14 =	simm.s32 $0x3;
	s6 =	sadd.s32 s7, s30  }
0x12: {  	s11 =	sadd.s32 $0xB6A00, s26;
	s7 =	sor.u32 $0x1C03, s31;
	s9 =	sadd.s32 $0x280, s6  }
.LBB2_1:
0x13: {  	[spmem:s13], [sflag:s7] =	dma.local [hbm:s5], $0x2780  }
0x14: {  	_ =	swait.ge [sflag:s14], $0x2780  }
0x15: {  	[sflag:s14] =	ssyncset.done $0x0  }
0x16: {  	[sflag:s14] =	ssyncadd.s32 $0xFFFFD880  }
0x17: {  	[bflag:$0x0] =	sbarrier.arrive $0xFFFF  }
0x18: {  	[tilespmem:s3], [sflag:$0x3] =	stream.linear.gather [hbm4b:s6+s3], $0x1400, $0x38;
	[tilespmem:$0x1E400] =	vst v63  }
0x19: {  	_ =	swait.ge [sflag:s14], $0x1400  }
0x1a: {  	[sflag:s14] =	ssyncset.done $0x0  }
0x1b: {  	[sflag:s14] =	ssyncadd.s32 $0xFFFFEC00  }
0x1c: {  	[tilespmem:s15], [sflag:$0x3] =	stream.linear.gather [hbm4b:s8+s3], $0x1400, $0x38;
	[tilespmem:$0x1E400] =	vst v63  }
0x1d: {  	_ =	swait.ge [sflag:s14], $0x1400  }
0x1e: {  	[sflag:s14] =	ssyncset.done $0x0  }
0x1f: {  	s22 =	simm.s32 $0x0;
	[sflag:s14] =	ssyncadd.s32 $0xFFFFEC00  }
0x20: {  	[tilespmem:s17], [sflag:$0x1] =	stream.indirect.gather [hbm4b:s4+s16], $0x80, s22, s16, $0xb8;
	[tilespmem:$0x1E400] =	vst v63  }
0x21: {  	s29 =	simm.s32 $0x80  }
0x22: {  	[tilespmem:s18], [sflag:$0x1] =	stream.indirect.gather [hbm4b:s4+s16], $0x80, s29, s16, $0xb8;
	[tilespmem:$0x1E400] =	vst v63  }
0x23: {  	_ =	swait.ge [sflag:s19], $0x4000  }
0x24: {  	[sflag:s19] =	ssyncset.done $0x0  }
0x25: {  	s30 =	simm.s32 $0x1400;
	[sflag:s19] =	ssyncadd.s32 $0xFFFFC000  }
0x26: {  	[spmem:s2] =	stream.indirect.scatter.add.f32 [tilespmem:s17], [sflag:$0x2], $0x80, s30, s16, $0xb8;
	[tilespmem:$0x1E400] =	vst v63  }
0x27: {  	_ =	swait.ge [sflag:s19], $0x4000  }
0x28: {  	[sflag:s19] =	ssyncset.done $0x0  }
0x29: {  	s31 =	simm.s32 $0x1480;
	[sflag:s19] =	ssyncadd.s32 $0xFFFFC000  }
0x2a: {  	[spmem:s2] =	stream.indirect.scatter.add.f32 [tilespmem:s18], [sflag:$0x2], $0x80, s31, s16, $0xb8;
	[tilespmem:$0x1E400] =	vst v63  }
0x2b: {  	_ =	swait.ge [sflag:s20], $0x4000  }
0x2c: {  	[sflag:s20] =	ssyncset.done $0x0  }
0x2d: {  	[sflag:s20] =	ssyncadd.s32 $0xFFFFC000  }
0x2e: {  	_ =	swait.ge [sflag:s20], $0x4000  }
0x2f: {  	s23 =	simm.s32 $0x800;
	s22 =	simm.s32 $0x400;
	[sflag:s20] =	ssyncset.done $0x0  }
.LBB2_2:
0x30: {  	s24 =	sshra.s32 s22, $0x2  }
0x31: {  	[sflag:s20] =	ssyncadd.s32 $0xFFFFC000;
	s22 =	smov.u32 s23;
	s25 =	sadd.s32 $0x400, s23  }
0x32: {  	[tilespmem:s17], [sflag:$0x1] =	stream.indirect.gather [hbm4b:s4+s16], $0x80, s24, s16, $0xb8;
	[tilespmem:$0x1E400] =	vst v63  }
0x33: {  	p0 =	sne.s32 s23, $0x4C00;
	s23 =	sadd.s32 $0x80, s24  }
0x34: {  	[tilespmem:s18], [sflag:$0x1] =	stream.indirect.gather [hbm4b:s4+s16], $0x80, s23, s16, $0xb8;
	[tilespmem:$0x1E400] =	vst v63  }
0x35: {  	_ =	swait.ge [sflag:s19], $0x4000  }
0x36: {  	[sflag:s19] =	ssyncset.done $0x0  }
0x37: {  	s23 =	sadd.s32 $0x1400, s24;
	[sflag:s19] =	ssyncadd.s32 $0xFFFFC000  }
0x38: {  	[spmem:s2] =	stream.indirect.scatter.add.f32 [tilespmem:s17], [sflag:$0x2], $0x80, s23, s16, $0xb8;
	[tilespmem:$0x1E400] =	vst v63  }
0x39: {  	_ =	swait.ge [sflag:s19], $0x4000  }
0x3a: {  	[sflag:s19] =	ssyncset.done $0x0  }
0x3b: {  	s23 =	sadd.s32 $0x1480, s24;
	[sflag:s19] =	ssyncadd.s32 $0xFFFFC000  }
0x3c: {  	[spmem:s2] =	stream.indirect.scatter.add.f32 [tilespmem:s18], [sflag:$0x2], $0x80, s23, s16, $0xb8;
	[tilespmem:$0x1E400] =	vst v63  }
.Ltmp0:
0x3d: {  	_ =	swait.ge [sflag:s20], $0x4000;
	(pc) =	sbr.rel @p0 .LBB2_2-.Ltmp0, $4  }
0x3e: {  	[sflag:s20] =	ssyncset.done $0x0  }
0x3f: {  	[sflag:s20] =	ssyncadd.s32 $0xFFFFC000  }
0x40: {  	_ =	swait.ge [sflag:s20], $0x4000  }
0x41: {  	s23 =	smov.u32 s25;
	[sflag:s20] =	ssyncset.done $0x0  }
0x42: {  	s22 =	sshra.s32 s22, $0x2;
	[sflag:s20] =	ssyncadd.s32 $0xFFFFC000  }
0x43: {  	[tilespmem:s17], [sflag:$0x1] =	stream.indirect.gather [hbm4b:s4+s16], $0x80, s22, s16, $0xb8;
	[tilespmem:$0x1E400] =	vst v63  }
0x44: {  	s23 =	sadd.s32 $0x80, s22  }
0x45: {  	[tilespmem:s18], [sflag:$0x1] =	stream.indirect.gather [hbm4b:s4+s16], $0x80, s23, s16, $0xb8;
	[tilespmem:$0x1E400] =	vst v63  }
0x46: {  	_ =	swait.ge [sflag:s19], $0x4000  }
0x47: {  	[sflag:s19] =	ssyncset.done $0x0  }
0x48: {  	s25 =	sadd.s32 $0x1400, s22;
	[sflag:s19] =	ssyncadd.s32 $0xFFFFC000  }
0x49: {  	[spmem:s2] =	stream.indirect.scatter.add.f32 [tilespmem:s17], [sflag:$0x2], $0x80, s25, s16, $0xb8;
	[tilespmem:$0x1E400] =	vst v63  }
0x4a: {  	_ =	swait.ge [sflag:s19], $0x4000  }
0x4b: {  	[sflag:s19] =	ssyncset.done $0x0  }
0x4c: {  	s22 =	sadd.s32 $0x1480, s22;
	[sflag:s19] =	ssyncadd.s32 $0xFFFFC000  }
0x4d: {  	[spmem:s2] =	stream.indirect.scatter.add.f32 [tilespmem:s18], [sflag:$0x2], $0x80, s22, s16, $0xb8;
	[tilespmem:$0x1E400] =	vst v63  }
0x4e: {  	_ =	swait.ge [sflag:s20], $0x4000  }
0x4f: {  	[sflag:s20] =	ssyncset.done $0x0  }
0x50: {  	[sflag:s20] =	ssyncadd.s32 $0xFFFFC000  }
0x51: {  	_ =	swait.ge [sflag:s20], $0x4000  }
0x52: {  	[sflag:s20] =	ssyncset.done $0x0  }
0x53: {  	s26 =	simm.s32 $0x0;
	[sflag:s20] =	ssyncadd.s32 $0xFFFFC000  }
0x54: {  	[tilespmem:s26], [sflag:$0x3] =	stream.linear.gather [hbm4b:s9+s26], $0x1400, $0x38;
	[tilespmem:$0x1E400] =	vst v63  }
0x55: {  	_ =	swait.ge [sflag:s14], $0x1400  }
0x56: {  	[sflag:s14] =	ssyncset.done $0x0  }
0x57: {  	[sflag:s14] =	ssyncadd.s32 $0xFFFFEC00  }
0x58: {  	[tilespmem:s15], [sflag:$0x3] =	stream.linear.gather [hbm4b:s10+s26], $0x1400, $0x38;
	[tilespmem:$0x1E400] =	vst v63  }
0x59: {  	_ =	swait.ge [sflag:s14], $0x1400  }
0x5a: {  	[sflag:s14] =	ssyncset.done $0x0  }
0x5b: {  	s28 =	simm.s32 $0x0;
	[sflag:s14] =	ssyncadd.s32 $0xFFFFEC00  }
0x5c: {  	[tilespmem:s17], [sflag:$0x1] =	stream.indirect.gather [hbm4b:s4+s16], $0x80, s28, s16, $0xb8;
	[tilespmem:$0x1E400] =	vst v63  }
0x5d: {  	s29 =	simm.s32 $0x80  }
0x5e: {  	[tilespmem:s18], [sflag:$0x1] =	stream.indirect.gather [hbm4b:s4+s16], $0x80, s29, s16, $0xb8;
	[tilespmem:$0x1E400] =	vst v63  }
0x5f: {  	_ =	swait.ge [sflag:s19], $0x4000  }
0x60: {  	[sflag:s19] =	ssyncset.done $0x0  }
0x61: {  	s30 =	simm.s32 $0x1400;
	[sflag:s19] =	ssyncadd.s32 $0xFFFFC000  }
0x62: {  	[spmem:s2] =	stream.indirect.scatter.add.f32 [tilespmem:s17], [sflag:$0x2], $0x80, s30, s16, $0xb8;
	[tilespmem:$0x1E400] =	vst v63  }
0x63: {  	_ =	swait.ge [sflag:s19], $0x4000  }
0x64: {  	[sflag:s19] =	ssyncset.done $0x0  }
0x65: {  	s31 =	simm.s32 $0x1480;
	[sflag:s19] =	ssyncadd.s32 $0xFFFFC000  }
0x66: {  	[spmem:s2] =	stream.indirect.scatter.add.f32 [tilespmem:s18], [sflag:$0x2], $0x80, s31, s16, $0xb8;
	[tilespmem:$0x1E400] =	vst v63  }
0x67: {  	_ =	swait.ge [sflag:s20], $0x4000  }
0x68: {  	[sflag:s20] =	ssyncset.done $0x0  }
0x69: {  	[sflag:s20] =	ssyncadd.s32 $0xFFFFC000  }
0x6a: {  	_ =	swait.ge [sflag:s20], $0x4000  }
0x6b: {  	s23 =	simm.s32 $0x800;
	s22 =	simm.s32 $0x400;
	[sflag:s20] =	ssyncset.done $0x0  }
.LBB2_4:
0x6c: {  	s24 =	sshra.s32 s22, $0x2  }
0x6d: {  	[sflag:s20] =	ssyncadd.s32 $0xFFFFC000;
	s22 =	smov.u32 s23;
	s25 =	sadd.s32 $0x400, s23  }
0x6e: {  	[tilespmem:s17], [sflag:$0x1] =	stream.indirect.gather [hbm4b:s4+s16], $0x80, s24, s16, $0xb8;
	[tilespmem:$0x1E400] =	vst v63  }
0x6f: {  	p0 =	sne.s32 s23, $0x4C00;
	s23 =	sadd.s32 $0x80, s24  }
0x70: {  	[tilespmem:s18], [sflag:$0x1] =	stream.indirect.gather [hbm4b:s4+s16], $0x80, s23, s16, $0xb8;
	[tilespmem:$0x1E400] =	vst v63  }
0x71: {  	_ =	swait.ge [sflag:s19], $0x4000  }
0x72: {  	[sflag:s19] =	ssyncset.done $0x0  }
0x73: {  	s23 =	sadd.s32 $0x1400, s24;
	[sflag:s19] =	ssyncadd.s32 $0xFFFFC000  }
0x74: {  	[spmem:s2] =	stream.indirect.scatter.add.f32 [tilespmem:s17], [sflag:$0x2], $0x80, s23, s16, $0xb8;
	[tilespmem:$0x1E400] =	vst v63  }
0x75: {  	_ =	swait.ge [sflag:s19], $0x4000  }
0x76: {  	[sflag:s19] =	ssyncset.done $0x0  }
0x77: {  	s23 =	sadd.s32 $0x1480, s24;
	[sflag:s19] =	ssyncadd.s32 $0xFFFFC000  }
0x78: {  	[spmem:s2] =	stream.indirect.scatter.add.f32 [tilespmem:s18], [sflag:$0x2], $0x80, s23, s16, $0xb8;
	[tilespmem:$0x1E400] =	vst v63  }
.Ltmp1:
0x79: {  	_ =	swait.ge [sflag:s20], $0x4000;
	(pc) =	sbr.rel @p0 .LBB2_4-.Ltmp1, $4  }
0x7a: {  	[sflag:s20] =	ssyncset.done $0x0  }
0x7b: {  	[sflag:s20] =	ssyncadd.s32 $0xFFFFC000  }
0x7c: {  	_ =	swait.ge [sflag:s20], $0x4000  }
0x7d: {  	s23 =	smov.u32 s25;
	[sflag:s20] =	ssyncset.done $0x0  }
0x7e: {  	s22 =	sshra.s32 s22, $0x2;
	[sflag:s20] =	ssyncadd.s32 $0xFFFFC000  }
0x7f: {  	[tilespmem:s17], [sflag:$0x1] =	stream.indirect.gather [hbm4b:s4+s16], $0x80, s22, s16, $0xb8;
	[tilespmem:$0x1E400] =	vst v63  }
0x80: {  	s23 =	sadd.s32 $0x80, s22  }
0x81: {  	[tilespmem:s18], [sflag:$0x1] =	stream.indirect.gather [hbm4b:s4+s16], $0x80, s23, s16, $0xb8;
	[tilespmem:$0x1E400] =	vst v63  }
0x82: {  	_ =	swait.ge [sflag:s19], $0x4000  }
0x83: {  	[sflag:s19] =	ssyncset.done $0x0  }
0x84: {  	s31 =	sadd.s32 $0x1400, s22;
	[sflag:s19] =	ssyncadd.s32 $0xFFFFC000  }
0x85: {  	[spmem:s2] =	stream.indirect.scatter.add.f32 [tilespmem:s17], [sflag:$0x2], $0x80, s31, s16, $0xb8;
	[tilespmem:$0x1E400] =	vst v63  }
0x86: {  	_ =	swait.ge [sflag:s19], $0x4000  }
0x87: {  	[sflag:s19] =	ssyncset.done $0x0  }
0x88: {  	s22 =	sadd.s32 $0x1480, s22;
	[sflag:s19] =	ssyncadd.s32 $0xFFFFC000  }
0x89: {  	[spmem:s2] =	stream.indirect.scatter.add.f32 [tilespmem:s18], [sflag:$0x2], $0x80, s22, s16, $0xb8;
	[tilespmem:$0x1E400] =	vst v63  }
0x8a: {  	_ =	swait.ge [sflag:s20], $0x4000  }
0x8b: {  	[sflag:s20] =	ssyncset.done $0x0  }
0x8c: {  	[sflag:s20] =	ssyncadd.s32 $0xFFFFC000  }
0x8d: {  	_ =	swait.ge [sflag:s20], $0x4000  }
0x8e: {  	s21 =	sadd.s32 $0x1, s21;
	[sflag:s20] =	ssyncset.done $0x0  }
0x8f: {  	p0 =	sne.s32 s21, s12;
	[sflag:s20] =	ssyncadd.s32 $0xFFFFC000  }
.Ltmp2:
0x90: {  	[bflag:$0x0] =	sbarrier.arrive $0xFFFF;
	(pc) =	sbr.rel @p0 .LBB2_1-.Ltmp2, $4  }
0x91: {  	[hbm:s11], [sflag:s7] =	dma.local [spmem:s13], $0x2780  }
0x92: {  	_ =	swait.ge [sflag:s14], $0x2780  }
0x93: {  	[sflag:s14] =	ssyncset.done $0x0  }
0x94: {  	[sflag:s14] =	ssyncadd.s32 $0xFFFFD880  }
0x95: {  	_ =	sfence.sel $0x180000  }
0x96: {  	[bflag:$0x0] =	sbarrier.arrive $0xFFFF  }
0x97: {  	p0 =	sne.s32 s1, $0x0;
	_ =	strace $0x9000004D  }
0x98: {  	s0 =	sadd.s32 @!p0 $0x100000, s0;
	[bflag:$0x2] =	sbarrier.arrive $0xFFFF  }
0x99: {  	[sflag:s0] =	ssyncadd.tile.s32 @!p0 $0x1;
	_ =	shalt  }
.Lfunc_end2:
_tile_overlayer_lowered:
.L_overlay_start_2:
0x9a: {  	(tag) =	ssettag $0x2  }
0x9b: {  	s0 =	rddreg [dreg:$0x0];
	s2 =	stileid.u32  }
0x9c: {  	s1 =	rddreg [dreg:$0x1];
	p0 =	sne.s32 s2, $0x0  }
0x9d: {  	s3 =	rddreg [dreg:$0x2];
	[bflag:$0x3] =	sbarrier.arrive $0xFFFF;
	s2 =	simm.s32 @!p0 $0x1C03  }
0x9e: {  	[timem:s3], [sflag:s2] =	dma.local @!p0 [hbm:s0], s1  }
0x9f: {  	s0 =	simm.s32 @!p0 $0x3  }
0xa0: {  	_ =	swait.ge @!p0 [sflag:s0], s1  }
0xa1: {  	s1 =	ssub.s32 @!p0 $0x0, s1;
	[sflag:s0] =	ssyncset.done @!p0 $0x0  }
0xa2: {  	[sflag:s0] =	ssyncadd.s32 @!p0 s1  }
0xa3: {  	[bflag:$0x3] =	sbarrier.arrive $0xFFFF  }
0xa4: {  	_ =	shalt  }

// kernel: kernel.8.cloned.1.call-start
scs
__scs_entry_jumppad:
0x0: {  	(pc) =	sbr.rel $0x88, $3  }
0x1: {  	(tag) =	ssettag $0x0;
	lr =	simm.s32 $0x1  }
0x2: {  	[smem:$0x3F9B] =	sst lr;
	_ =	strace $0xD0000000  }
0x3: {  	_ = 	snop  }
0x4: {  	_ = 	snop  }
0x5: {  	_ = 	snop  }
0x6: {  	_ = 	snop  }
0x7: {  	_ = 	snop  }
__scs_overlays_trampoline_lowered:
0x8: {  	[smem:$0x3FAA] =	sst s0  }
0x9: {  	[smem:$0x3FAB] =	sst s1  }
0xa: {  	[smem:$0x3FAC] =	sst s2  }
0xb: {  	[smem:$0x3FAD] =	sst s3  }
0xc: {  	[smem:$0x3FAE] =	sst s4  }
0xd: {  	[smem:$0x3FAF] =	sst s5  }
0xe: {  	[smem:$0x3FB0] =	sst s6  }
0xf: {  	[smem:$0x3FB1] =	sst s7  }
0x10: {  	[smem:$0x3FB2] =	sst s8  }
0x11: {  	[smem:$0x3FB3] =	sst s9;
	s0 =	simm.s32 @!p0 $0x0  }
0x12: {  	s1 =	sld [smem:$0x3F99];
	s0 =	simm.s32 @p0 $0x1  }
0x13: {  	[smem:$0x3FB4] =	sst s0;
	s0 =	simm.s32 @!p1 $0x0  }
0x14: {  	s2 =	sld [smem:$0x3F98];
	s0 =	simm.s32 @p1 $0x1  }
0x15: {  	[smem:$0x3FB5] =	sst s0;
	s0 =	simm.s32 @!p2 $0x0  }
0x16: {  	s3 =	sld [smem:$0x3FDB];
	s0 =	simm.s32 @p2 $0x1  }
0x17: {  	s4 =	simm.s32 $0x1BF5;
	[smem:$0x3FB7] =	sst s0  }
0x18: {  	s0 =	sld [smem:$0x3F9A];
	_ =	swait.ge [sflag:s4], $0x0  }
0x19: {  	s7 =	sld [smem:$0x3F9B]  }
0x1a: {  	s8 =	sadd.s32 $0xFFFFE003, lr  }
0x1b: {  	s9 =	sadd.s32 $0xFFFFFEF7, lr;
	s5 =	simm.s32 $0xFFFFFFFF;
	p2 =	slt.u32 s8, $0xFFFFF086  }
0x1c: {  	p1 =	slt.u32 s9, $0xF7A;
	s5 =	simm.s32 @!p2 $0x0  }
0x1d: {  	s5 =	simm.s32 @p1 $0x1;
	p0 =	seq.s32 s7, s2  }
0x1e: {  	s7 =	smul.u32 @!p0 $0xF7A, s2;
	p2 =	seq.s32 @!p0 s5, $0x0  }
0x1f: {  	s9 =	smul.u32 $0xF7A, s1;
	s8 =	simm.s32 @!p0 $0x1BF5;
	p2 =	por !p2, p0  }
0x20: {  	[sflag:s8] =	ssyncset.s32 @!p0 $0xFFFFF086;
	s6 =	sadd.s32 @!p0 s3, s7;
	s7 =	simm.s32 @!p0 $0x108  }
0x21: {  	s3 =	sadd.s32 s3, s9;
	s6 =	sadd.s32 @!p0 $0x88, s6;
	s7 =	simm.s32 @p2 $0x1082  }
0x22: {  	[simem:s7], [sflag:s8] =	dma.local @!p0 [hbm:s6], $0xF7A  }
0x23: {  	s9 =	sor.u32 $0xD0000000, s2;
	s6 =	simm.s32 $0x108;
	_ =	swait.ge @!p0 [sflag:s8], $0x0  }
0x24: {  	s3 =	sadd.s32 $0x88, s3;
	s6 =	simm.s32 @!p1 $0x1082;
	[sflag:s4] =	ssyncset.s32 $0xFFFFF086  }
0x25: {  	[simem:s6], [sflag:s4] =	dma.local [hbm:s3], $0xF7A  }
0x26: {  	[smem:$0x3F9B] =	sst s1;
	(tag) =	ssettag s2;
	_ =	strace s9  }
0x27: {  	s1 =	sld [smem:$0x3FAB]  }
0x28: {  	s2 =	sld [smem:$0x3FAC]  }
0x29: {  	s4 =	sld [smem:$0x3FAE]  }
0x2a: {  	p0 =	seq.s32 s5, $0x0;
	s5 =	sld [smem:$0x3FAF]  }
0x2b: {  	s6 =	sld [smem:$0x3FB0]  }
0x2c: {  	s7 =	sld [smem:$0x3FB1]  }
0x2d: {  	s3 =	simm.s32 $0x108;
	s8 =	sld [smem:$0x3FB2]  }
0x2e: {  	s3 =	simm.s32 @!p0 $0x1082;
	s9 =	sld [smem:$0x3FB3]  }
0x2f: {  	lr =	sadd.s32 s0, s3;
	s0 =	sld [smem:$0x3FAA]  }
0x30: {  	s3 =	sld [smem:$0x3FAD]  }
0x31: {  	[smem:$0x3FB6] =	sst s10  }
0x32: {  	s10 =	sld [smem:$0x3FB4];
	_ =	sdelay $0x3  }
0x33: {  	p0 =	seq.s32 s10, $0x1;
	s10 =	sld [smem:$0x3FB6];
	_ =	sdelay $0x3  }
0x34: {  	[smem:$0x3FB6] =	sst s10  }
0x35: {  	s10 =	sld [smem:$0x3FB5];
	_ =	sdelay $0x3  }
0x36: {  	p1 =	seq.s32 s10, $0x1;
	s10 =	sld [smem:$0x3FB6];
	_ =	sdelay $0x3  }
0x37: {  	[smem:$0x3FB6] =	sst s10  }
0x38: {  	s10 =	sld [smem:$0x3FB7]  }
0x39: {  	_ = 	snop;
	(pc) =	sbr.ind lr, $3  }
0x3a: {  	_ = 	snop  }
0x3b: {  	_ = 	snop  }
0x3c: {  	p2 =	seq.s32 s10, $0x1;
	s10 =	sld [smem:$0x3FB6]  }
0x3d: {  	_ =	shalt  }
0x3e: {  	_ =	shalt  }
0x3f: {  	_ =	shalt  }
0x40: {  	_ =	shalt  }
0x41: {  	_ =	shalt  }
0x42: {  	_ =	shalt  }
0x43: {  	_ =	shalt  }
0x44: {  	_ =	shalt  }
0x45: {  	_ =	shalt  }
0x46: {  	_ =	shalt  }
0x47: {  	_ =	shalt  }
0x48: {  	_ =	shalt  }
0x49: {  	_ =	shalt  }
0x4a: {  	_ =	shalt  }
0x4b: {  	_ =	shalt  }
0x4c: {  	_ =	shalt  }
0x4d: {  	_ =	shalt  }
0x4e: {  	_ =	shalt  }
0x4f: {  	_ =	shalt  }
0x50: {  	_ =	shalt  }
0x51: {  	_ =	shalt  }
0x52: {  	_ =	shalt  }
0x53: {  	_ =	shalt  }
0x54: {  	_ =	shalt  }
0x55: {  	_ =	shalt  }
0x56: {  	_ =	shalt  }
0x57: {  	_ =	shalt  }
0x58: {  	_ =	shalt  }
0x59: {  	_ =	shalt  }
0x5a: {  	_ =	shalt  }
0x5b: {  	_ =	shalt  }
0x5c: {  	_ =	shalt  }
0x5d: {  	_ =	shalt  }
0x5e: {  	_ =	shalt  }
0x5f: {  	_ =	shalt  }
0x60: {  	_ =	shalt  }
0x61: {  	_ =	shalt  }
0x62: {  	_ =	shalt  }
0x63: {  	_ =	shalt  }
0x64: {  	_ =	shalt  }
0x65: {  	_ =	shalt  }
0x66: {  	_ =	shalt  }
0x67: {  	_ =	shalt  }
0x68: {  	_ =	shalt  }
0x69: {  	_ =	shalt  }
0x6a: {  	_ =	shalt  }
0x6b: {  	_ =	shalt  }
0x6c: {  	_ =	shalt  }
0x6d: {  	_ =	shalt  }
0x6e: {  	_ =	shalt  }
0x6f: {  	_ =	shalt  }
0x70: {  	_ =	shalt  }
0x71: {  	_ =	shalt  }
0x72: {  	_ =	shalt  }
0x73: {  	_ =	shalt  }
0x74: {  	_ =	shalt  }
0x75: {  	_ =	shalt  }
0x76: {  	_ =	shalt  }
0x77: {  	_ =	shalt  }
0x78: {  	_ =	shalt  }
0x79: {  	_ =	shalt  }
0x7a: {  	_ =	shalt  }
0x7b: {  	_ =	shalt  }
0x7c: {  	_ =	shalt  }
0x7d: {  	_ =	shalt  }
0x7e: {  	_ =	shalt  }
0x7f: {  	_ =	shalt  }
0x80: {  	_ =	shalt  }
0x81: {  	_ =	shalt  }
0x82: {  	_ =	shalt  }
0x83: {  	_ =	shalt  }
0x84: {  	_ =	shalt  }
0x85: {  	_ =	shalt  }
0x86: {  	_ =	shalt  }
0x87: {  	_ =	shalt  }
.Lfunc_end0:
.L_simem_size_0:
called_computation_lowered:
.L_overlay_start_0:
0x88: {  	s2 =	sld [smem:$0x3FD9]  }
0x89: {  	s3 =	sld [smem:$0x3FFE];
	_ =	sdelay $0x1  }
0x8a: {  	s1 =	srdreg.scid  }
0x8b: {  	s0 =	sand.u32 $0x1, s1  }
0x8c: {  	s16 =	sshll.u32 s0, $0xA;
	s2 =	sadd.s32 s3, s2  }
0x8d: {  	s2 =	sadd.s32 s2, s16  }
0x8e: {  	[smem:$0x3FC2] =	sst s2  }
0x8f: {  	_ = 	snop  }
0x90: {  	(tm) =	ssettm $0x1  }
0x91: {  	s17 =	sld [smem:$0x3FFB];
	_ =	sdelay $0x3  }
0x92: {  	_ =	strace s17  }
0x93: {  	s2 =	sld [smem:$0x3FFC];
	_ =	sdelay $0x3  }
0x94: {  	_ =	strace s2  }
0x95: {  	s2 =	sld [smem:$0x3FFD];
	_ =	sdelay $0x3  }
0x96: {  	_ =	strace s2  }
0x97: {  	_ =	strace $0x8FFFFFFF  }
0x98: {  	s18 =	sld [smem:$0x3FDB];
	_ =	sdelay $0x1  }
0x99: {  	s19 =	simm.s32 $_scs_section_size  }
0x9a: {  	s4 =	simm.s32 $_size__tile_overlayer_lowered;
	s5 =	simm.s32 $_tile_overlayer_lowered  }
0x9b: {  	s22 =	simm.s32 $0x1BFF;
	s21 =	sshll.u32 s5, $0x1;
	s2 =	sadd.s32 s19, s18  }
0x9c: {  	s6 =	simm.s32 $0x0;
	s20 =	sshll.u32 s4, $0x1;
	s4 =	sadd.s32 s21, s2  }
0x9d: {  	[timem:s6], [sflag:s22] =	dma.local [hbm:s4], s20  }
0x9e: {  	_ =	swait.ge [sflag:s22], s20  }
0x9f: {  	s3 =	ssub.s32 $0x0, s20;
	[sflag:s22] =	ssyncset.done $0x0  }
0xa0: {  	[sflag:s22] =	ssyncadd.s32 s3;
	_ =	sdelay $0x1  }
0xa1: {  	s23 =	simm.s32 $0x1B8B  }
0xa2: {  	_ =	swait.ge [sflag:s23], $0x1  }
0xa3: {  	[sflag:s23] =	ssyncset.done $0x0  }
0xa4: {  	s25 =	simm.s32 $0x1B8E;
	s24 =	sld [smem:$0x3FFE];
	[sflag:s23] =	ssyncadd.s32 $0xFFFFFFFF  }
0xa5: {  	s26 =	simm.s32 $execute0_lowered;
	[smem:$0x3FD2] =	sst s25  }
0xa6: {  	s4 =	sshll.u32 s26, $0x1;
	_ =	strace $0x80000046;
	[dreg:$0x1] =	wrdreg $0xFFFFFFFF  }
0xa7: {  	s28 =	simm.s32 $_size_execute0_lowered;
	s2 =	sadd.s32 s2, s4;
	[dreg:$0x0] =	wrdreg $0x0  }
0xa8: {  	s4 =	sshll.u32 s28, $0x1;
	[dreg:$0x2] =	wrdreg s2  }
0xa9: {  	[dreg:$0x3] =	wrdreg s4  }
0xaa: {  	[dreg:$0x4] =	wrdreg $0xC0  }
0xab: {  	_ =	task [dreg:s6], $0x5FFFF  }
0xac: {  	[dreg:$0x1] =	wrdreg $0xFFFFFFFF  }
0xad: {  	[dreg:$0x0] =	wrdreg $0x60  }
0xae: {  	[dreg:$0x2] =	wrdreg s24  }
0xaf: {  	[dreg:$0x3] =	wrdreg $0x54000  }
0xb0: {  	[dreg:$0x4] =	wrdreg $0x9  }
0xb1: {  	_ =	task.clear_ibuf [dreg:s6], $0x5FFFF;
	_ =	strace $0x90000046  }
0xb2: {  	s29 =	simm.s32 $0x9;
	_ =	strace $0x80000048  }
0xb3: {  	_ =	swait.ge [sflag:s29], $0x1  }
0xb4: {  	[sflag:s29] =	ssyncadd.s32 $0xFFFFFFFF  }
0xb5: {  	_ =	strace $0x90000048  }
0xb6: {  	_ =	sfence  }
0xb7: {  	s30 =	sld [smem:$0x0];
	_ =	sdelay $0x2  }
0xb8: {  	s31 =	sshll.u32 s1, $0xD;
	s1 =	sshrl.u32 s1, $0x2  }
0xb9: {  	s3 =	sand.u32 $0x4000, s31;
	s1 =	sadd.s32 s1, s30  }
0xba: {  	s0 =	sor.u32 s3, s0;
	s1 =	sshll.u32 s1, $0x11  }
0xbb: {  	s0 =	sor.u32 s1, s0  }
0xbc: {  	s0 =	sadd.s32 $0x8F2B, s0  }
0xbd: {  	[sflag:s0] =	ssyncadd.remote.s32 $0x1  }
0xbe: {  	_ =	sfence.sel $0xFFFF  }
0xbf: {  	[dreg:$0x0] =	wrdreg $0xFFFFFFFF;
	(pc) =	sbr.abs _section_cstart, $3  }
0xc0: {  	[dreg:$0x1] =	wrdreg $0xFFFFFFFF  }
0xc1: {  	_ =	task.clear_ibuf [dreg:s6], $0x2FFFF;
	_ =	strace $0x9FFFFFFF  }
0xc2: {  	(tm) =	ssettm $0x7FFFFFFF  }
0xc3: {  	_ =	shalt  }
tec
execute0_lowered:
.L_overlay_start_1:
0x0: {  	(tag) =	ssettag $0x1  }
0x1: {  	s6 =	rddreg [dreg:$0x0]  }
0x2: {  	s0 =	srdreg.scid;
	s2 =	rddreg [dreg:$0x1]  }
0x3: {  	s3 =	simm.s32 $0x0;
	s5 =	sand.u32 $0x1, s0;
	s0 =	stileid.u32  }
0x4: {  	s13 =	simm.s32 $0x80;
	s14 =	simm.s32 $0x1;
	s7 =	smul.u32 $0x2780, s0  }
0x5: {  	s15 =	simm.s32 $0x0;
	[smem:$0x7FF] =	sst s3;
	s9 =	smul.u32 $0x2AF80, s5  }
0x6: {  	s1 =	sshll.u32 s5, $0x4;
	s10 =	ssub.s32 $0x2, s5;
	s11 =	smul.u32 $0x4F000, s0  }
0x7: {  	s5 =	sadd.s32 $0x7A00, s6;
	s31 =	sshll.u32 s0, $0x6;
	s4 =	sor.u32 s0, s1  }
0x8: {  	s1 =	rddreg [dreg:$0x2];
	_ =	strace $0x80000047;
	s29 =	sshrl.u32 s10, $0x1  }
0x9: {  	s4 =	smul.u32 $0x280, s4;
	s7 =	sadd.s32 s7, s9;
	s9 =	ssub.s32 s10, s29  }
0xa: {  	s30 =	sshrl.u32 s11, $0x2;
	s10 =	simm.s32 $0x2;
	s11 =	sor.u32 $0x1C02, s31  }
0xb: {  	s7 =	sadd.s32 s7, s6;
	s12 =	sadd.s32 s30, s2;
	s8 =	sadd.s32 s4, s6  }
0xc: {  	s4 =	sadd.s32 $0x8200, s6;
	s7 =	sadd.s32 $0xAA00, s7;
	s12 =	sshrl.u32 s12, $0x3  }
0xd: {  	s6 =	sadd.s32 $0x2A00, s8;
	s8 =	smax.u32 s9, $0x1;
	s9 =	simm.s32 $0x1400  }
.LBB2_1:
0xe: {  	[tilespmem:s9], [sflag:$0x2] =	stream.linear.gather [hbm4b:s5+s3], $0x4000, $0x38;
	[tilespmem:$0x19000] =	vst v63  }
0xf: {  	_ =	swait.ge [sflag:s10], $0x4000  }
0x10: {  	[sflag:s10] =	ssyncset.done $0x0  }
0x11: {  	[sflag:s10] =	ssyncadd.s32 $0xFFFFC000  }
0x12: {  	[tilespmem:s3], [sflag:$0x2] =	stream.linear.gather [hbm4b:s6+s3], $0x1400, $0x38;
	[tilespmem:$0x19000] =	vst v63  }
0x13: {  	_ =	swait.ge [sflag:s10], $0x1400  }
0x14: {  	[sflag:s10] =	ssyncset.done $0x0  }
0x15: {  	[sflag:s10] =	ssyncadd.s32 $0xFFFFEC00  }
0x16: {  	[spmem:s12], [sflag:s11] =	dma.local [hbm:s4], $0x2780  }
0x17: {  	_ =	swait.ge [sflag:s10], $0x2780  }
0x18: {  	[sflag:s10] =	ssyncset.done $0x0  }
0x19: {  	[sflag:s10] =	ssyncadd.s32 $0xFFFFD880  }
0x1a: {  	s16 =	simm.s32 $0x0;
	[bflag:$0x0] =	sbarrier.arrive $0xFFFF  }
0x1b: {  	[spmem:s2] =	stream.indirect.scatter.add.f32 [tilespmem:s9], [sflag:$0x1], $0x80, s16, s13, $0xb8;
	[tilespmem:$0x19000] =	vst v63  }
0x1c: {  	s31 =	simm.s32 $0x80  }
0x1d: {  	[spmem:s2] =	stream.indirect.scatter.add.f32 [tilespmem:s9], [sflag:$0x1], $0x80, s31, s13, $0xb8;
	[tilespmem:$0x19000] =	vst v63  }
0x1e: {  	_ =	swait.ge [sflag:s14], $0x4000  }
0x1f: {  	[sflag:s14] =	ssyncset.done $0x0  }
0x20: {  	[sflag:s14] =	ssyncadd.s32 $0xFFFFC000  }
0x21: {  	_ =	swait.ge [sflag:s14], $0x4000  }
0x22: {  	s17 =	simm.s32 $0x800;
	s16 =	simm.s32 $0x400;
	[sflag:s14] =	ssyncset.done $0x0  }
.LBB2_2:
0x23: {  	s18 =	sshra.s32 s16, $0x2  }
0x24: {  	[sflag:s14] =	ssyncadd.s32 $0xFFFFC000;
	s16 =	smov.u32 s17;
	s19 =	sadd.s32 $0x400, s17  }
0x25: {  	[spmem:s2] =	stream.indirect.scatter.add.f32 [tilespmem:s9], [sflag:$0x1], $0x80, s18, s13, $0xb8;
	[tilespmem:$0x19000] =	vst v63  }
0x26: {  	p0 =	sne.s32 s17, $0x4C00;
	s17 =	sadd.s32 $0x80, s18  }
0x27: {  	[spmem:s2] =	stream.indirect.scatter.add.f32 [tilespmem:s9], [sflag:$0x1], $0x80, s17, s13, $0xb8;
	[tilespmem:$0x19000] =	vst v63  }
.Ltmp0:
0x28: {  	_ =	swait.ge [sflag:s14], $0x4000;
	(pc) =	sbr.rel @p0 .LBB2_2-.Ltmp0, $4  }
0x29: {  	[sflag:s14] =	ssyncset.done $0x0  }
0x2a: {  	[sflag:s14] =	ssyncadd.s32 $0xFFFFC000  }
0x2b: {  	_ =	swait.ge [sflag:s14], $0x4000  }
0x2c: {  	s17 =	smov.u32 s19;
	[sflag:s14] =	ssyncset.done $0x0  }
0x2d: {  	s16 =	sshra.s32 s16, $0x2;
	[sflag:s14] =	ssyncadd.s32 $0xFFFFC000  }
0x2e: {  	[spmem:s2] =	stream.indirect.scatter.add.f32 [tilespmem:s9], [sflag:$0x1], $0x80, s16, s13, $0xb8;
	[tilespmem:$0x19000] =	vst v63  }
0x2f: {  	s16 =	sadd.s32 $0x80, s16  }
0x30: {  	[spmem:s2] =	stream.indirect.scatter.add.f32 [tilespmem:s9], [sflag:$0x1], $0x80, s16, s13, $0xb8;
	[tilespmem:$0x19000] =	vst v63  }
0x31: {  	_ =	swait.ge [sflag:s14], $0x4000  }
0x32: {  	[sflag:s14] =	ssyncset.done $0x0  }
0x33: {  	[sflag:s14] =	ssyncadd.s32 $0xFFFFC000  }
0x34: {  	_ =	swait.ge [sflag:s14], $0x4000  }
0x35: {  	s15 =	sadd.s32 $0x1, s15;
	[sflag:s14] =	ssyncset.done $0x0  }
0x36: {  	p0 =	sne.s32 s15, s8;
	[sflag:s14] =	ssyncadd.s32 $0xFFFFC000  }
.Ltmp1:
0x37: {  	[bflag:$0x0] =	sbarrier.arrive $0xFFFF;
	(pc) =	sbr.rel @p0 .LBB2_1-.Ltmp1, $4  }
0x38: {  	[hbm:s7], [sflag:s11] =	dma.local [spmem:s12], $0x2780  }
0x39: {  	_ =	swait.ge [sflag:s10], $0x2780  }
0x3a: {  	[sflag:s10] =	ssyncset.done $0x0  }
0x3b: {  	[sflag:s10] =	ssyncadd.s32 $0xFFFFD880  }
0x3c: {  	_ =	sfence.sel $0x180000  }
0x3d: {  	[bflag:$0x0] =	sbarrier.arrive $0xFFFF  }
0x3e: {  	p0 =	sne.s32 s0, $0x0;
	_ =	strace $0x90000047  }
0x3f: {  	s0 =	sadd.s32 @!p0 $0x100000, s1;
	[bflag:$0x2] =	sbarrier.arrive $0xFFFF  }
0x40: {  	[sflag:s0] =	ssyncadd.tile.s32 @!p0 $0x1;
	_ =	shalt  }
.Lfunc_end2:
_tile_overlayer_lowered:
.L_overlay_start_2:
0x41: {  	(tag) =	ssettag $0x2  }
0x42: {  	s0 =	rddreg [dreg:$0x0];
	s2 =	stileid.u32  }
0x43: {  	s1 =	rddreg [dreg:$0x1];
	p0 =	sne.s32 s2, $0x0  }
0x44: {  	s3 =	rddreg [dreg:$0x2];
	[bflag:$0x3] =	sbarrier.arrive $0xFFFF;
	s2 =	simm.s32 @!p0 $0x1C02  }
0x45: {  	[timem:s3], [sflag:s2] =	dma.local @!p0 [hbm:s0], s1  }
0x46: {  	s0 =	simm.s32 @!p0 $0x2  }
0x47: {  	_ =	swait.ge @!p0 [sflag:s0], s1  }
0x48: {  	s1 =	ssub.s32 @!p0 $0x0, s1;
	[sflag:s0] =	ssyncset.done @!p0 $0x0  }
0x49: {  	[sflag:s0] =	ssyncadd.s32 @!p0 s1  }
0x4a: {  	[bflag:$0x3] =	sbarrier.arrive $0xFFFF  }
0x4b: {  	_ =	shalt  }

</sc_bundles>
